<compile_context>
chip_gen: v7x
topology: tpu7x:2x2x1
jax: 0.10.2.dev20260603
libtpu: 0.0.44.dev20260713+nightly
codegen_flags: <defaults>
</compile_context>

<pallas_src>
import functools

import jax
import jax.numpy as jnp
from jax import lax
from jax.experimental import pallas as pl
from jax.experimental.pallas import tpu as pltpu
from jax.experimental.pallas import tpu_sc as plsc

B, S, N = 2, 2048, 1024
TD, SD, H, K = 1024, 1024, 16, 8
HD = SD // H
SCALE = HD ** (-0.5)
BS = 256
RBS = 512
BSK = BS * K
MB = S * K
NC, NS = 2, 16
NW = NC * NS
PER_W = MB // NW
CH = 64
NCHUNK = PER_W // CH


def _dotT(a, b):
    return lax.dot_general(a, b, (((1,), (1,)), ((), ())),
                           preferred_element_type=jnp.float32)


def _route_body(tok_ref, states_ref, rw_ref, rb_ref, qw_ref, qb_ref,
                idx_ref, q_ref):
    tok = tok_ref[...]
    routed = _dotT(tok, rw_ref[...]) + rb_ref[...]
    scores = _dotT(routed, states_ref[...])

    iota_n = lax.broadcasted_iota(jnp.int32, (RBS, N), 1)
    x = scores
    idxs = []
    for _ in range(K):
        m = jnp.max(x, axis=-1, keepdims=True)
        am = jnp.min(jnp.where(x == m, iota_n, N), axis=-1, keepdims=True)
        idxs.append(am)
        x = jnp.where(iota_n == am, -3e38, x)

    idx_ref[...] = jnp.concatenate(idxs, axis=1)
    q_ref[...] = _dotT(tok.astype(jnp.bfloat16),
                       qw_ref[...].astype(jnp.bfloat16)) + qb_ref[...]


def _pack(x):
    xb = x.astype(jnp.bfloat16)
    lo = lax.bitcast_convert_type(xb[:, :SD // 2], jnp.uint16).astype(jnp.uint32)
    hi = lax.bitcast_convert_type(xb[:, SD // 2:], jnp.uint16).astype(jnp.uint32)
    return lax.bitcast_convert_type(lo | (hi << 16), jnp.int32)


def _unpack(x):
    xu = lax.bitcast_convert_type(x, jnp.uint32)
    lo = lax.bitcast_convert_type((xu & 0xFFFF).astype(jnp.uint16), jnp.bfloat16)
    hi = lax.bitcast_convert_type((xu >> 16).astype(jnp.uint16), jnp.bfloat16)
    return jnp.concatenate([lo, hi], axis=1)


def _kv_body(states_ref, kw_ref, vw_ref, kb_ref, vb_ref, kv_ref):
    st = states_ref[0]
    kv_ref[0, :, :SD // 2] = _pack(_dotT(st, kw_ref[...]) + kb_ref[...])
    kv_ref[0, :, SD // 2:] = _pack(_dotT(st, vw_ref[...]) + vb_ref[...])


def _sc_gather(table, idx):
    mesh = plsc.VectorSubcoreMesh(core_axis_name="c", subcore_axis_name="s")

    @functools.partial(
        pl.kernel,
        mesh=mesh,
        out_type=jax.ShapeDtypeStruct((MB, SD), jnp.int32),
        scratch_types=[
            pltpu.VMEM((CH,), jnp.int32),
            pltpu.VMEM((CH, SD), jnp.int32),
            pltpu.SemaphoreType.DMA,
        ],
    )
    def gather_k(table_hbm, idx_hbm, out_hbm, idx_v, rows_v, sem):
        wid = lax.axis_index("s") * NC + lax.axis_index("c")
        base = wid * PER_W

        def body(i, carry):
            off = base + i * CH
            pltpu.sync_copy(idx_hbm.at[pl.ds(off, CH)], idx_v)
            pltpu.async_copy(table_hbm.at[idx_v], rows_v, sem).wait()
            pltpu.sync_copy(rows_v, out_hbm.at[pl.ds(off, CH)])
            return carry

        lax.fori_loop(0, NCHUNK, body, 0)

    return gather_k(table, idx)


def _attn_body(q_ref, kv_ref, ow_ref, ob_ref, out_ref, attn_ref):
    q = q_ref[...]
    packed = kv_ref[...]
    krows = _unpack(packed[:, :SD // 2]).astype(jnp.float32)
    vrows = _unpack(packed[:, SD // 2:]).astype(jnp.float32)

    d_iota = lax.broadcasted_iota(jnp.int32, (SD, H), 0)
    h_iota = lax.broadcasted_iota(jnp.int32, (SD, H), 1)
    dmat = (d_iota // HD == h_iota).astype(jnp.float32)
    h2 = lax.broadcasted_iota(jnp.int32, (H, SD), 0)
    d2 = lax.broadcasted_iota(jnp.int32, (H, SD), 1)
    dmat2 = (d2 // HD == h2).astype(jnp.float32)

    r_i = lax.broadcasted_iota(jnp.int32, (BSK, BS), 0)
    t_i = lax.broadcasted_iota(jnp.int32, (BSK, BS), 1)
    rep = (r_i // K == t_i).astype(jnp.bfloat16)
    t2 = lax.broadcasted_iota(jnp.int32, (BS, BSK), 0)
    r2 = lax.broadcasted_iota(jnp.int32, (BS, BSK), 1)
    seg = (r2 // K == t2).astype(jnp.float32)

    qrep = jnp.dot(rep, q.astype(jnp.bfloat16),
                   preferred_element_type=jnp.float32)
    prod = qrep * krows
    logits = jnp.dot(prod, dmat, preferred_element_type=jnp.float32) * SCALE

    ex = jnp.exp(logits)
    denom = jnp.dot(seg, ex, preferred_element_type=jnp.float32)
    denom_rep = jnp.dot(rep.astype(jnp.float32), denom,
                        preferred_element_type=jnp.float32)
    w = ex / denom_rep
    attn_ref[...] = w

    wexp = jnp.dot(w, dmat2, preferred_element_type=jnp.float32)
    prod2 = (wexp * vrows).astype(jnp.bfloat16)
    o = jnp.dot(seg.astype(jnp.bfloat16), prod2,
                preferred_element_type=jnp.float32)

    out_ref[...] = _dotT(o.astype(jnp.bfloat16),
                         ow_ref[...].astype(jnp.bfloat16)) + ob_ref[...]


def kernel(tokens, states, router_w, router_b, q_w, q_b, k_w, k_b, v_w, v_b, out_w, out_b):
    rb = router_b.reshape(1, SD)
    qb = q_b.reshape(1, SD)
    kb = k_b.reshape(1, SD)
    vb = v_b.reshape(1, SD)
    ob = out_b.reshape(1, SD)

    kv = pl.pallas_call(
        _kv_body,
        grid=(B,),
        in_specs=[
            pl.BlockSpec((1, N, SD), lambda b: (b, 0, 0)),
            pl.BlockSpec((SD, SD), lambda b: (0, 0)),
            pl.BlockSpec((SD, SD), lambda b: (0, 0)),
            pl.BlockSpec((1, SD), lambda b: (0, 0)),
            pl.BlockSpec((1, SD), lambda b: (0, 0)),
        ],
        out_specs=pl.BlockSpec((1, N, SD), lambda b: (b, 0, 0)),
        out_shape=jax.ShapeDtypeStruct((B, N, SD), jnp.int32),
    )(states, k_w, v_w, kb, vb)

    route = pl.pallas_call(
        _route_body,
        grid=(S // RBS,),
        in_specs=[
            pl.BlockSpec((RBS, TD), lambda s: (s, 0)),
            pl.BlockSpec((N, SD), lambda s: (0, 0)),
            pl.BlockSpec((TD, SD), lambda s: (0, 0)),
            pl.BlockSpec((1, SD), lambda s: (0, 0)),
            pl.BlockSpec((TD, SD), lambda s: (0, 0)),
            pl.BlockSpec((1, SD), lambda s: (0, 0)),
        ],
        out_specs=[
            pl.BlockSpec((RBS, K), lambda s: (s, 0)),
            pl.BlockSpec((RBS, SD), lambda s: (s, 0)),
        ],
        out_shape=[
            jax.ShapeDtypeStruct((S, K), jnp.int32),
            jax.ShapeDtypeStruct((S, SD), jnp.float32),
        ],
    )

    def attn(q_b, gathered, ow, ob2, batch):
        return pl.pallas_call(
            _attn_body,
            grid=(S // BS,),
            in_specs=[
                pl.BlockSpec((BS, SD), lambda s: (s, 0)),
                pl.BlockSpec((BSK, SD), lambda s: (batch * (S // BS) + s, 0)),
                pl.BlockSpec((SD, SD), lambda s: (0, 0)),
                pl.BlockSpec((1, SD), lambda s: (0, 0)),
            ],
            out_specs=[
                pl.BlockSpec((BS, SD), lambda s: (s, 0)),
                pl.BlockSpec((BSK, H), lambda s: (s, 0)),
            ],
            out_shape=[
                jax.ShapeDtypeStruct((S, SD), jnp.float32),
                jax.ShapeDtypeStruct((MB, H), jnp.float32),
            ],
        )(q_b, gathered, ow, ob2)

    gathered, qs = [], []
    for b in range(B):
        idx_b, q_b2 = route(tokens[b], states[b], router_w, rb, q_w, qb)
        qs.append(q_b2)
        gathered.append(_sc_gather(kv[b], idx_b.reshape(MB)))

    outs, attns = [], []
    for b in range(B):
        out_b2, attn_b = attn(qs[b], gathered[b], out_w, ob, batch=0)
        outs.append(out_b2[None])
        attns.append(attn_b[None])

    out = jnp.concatenate(outs, axis=0)
    attn_w = jnp.concatenate(attns, axis=0).reshape(B, S, K, H)
    return (out, attn_w.transpose(0, 3, 1, 2))

# --- scband reference (transcript-rebuilt; emitter-appended) ---
"""Pipeline reference for scband-sparse-state-attention-64424509440480 (READ-ONLY COPY).

The authoritative reference and input builder live on the scoring server;
editing this copy changes nothing except your own understanding.
"""

import jax, jax.numpy as jnp
import numpy as np

B, S, N = 2, 2048, 1024
TD, SD, H, K = 1024, 1024, 16, 8


def setup_inputs(seed: int = 0) -> dict:
    key = jax.random.key(seed)
    ks = jax.random.split(key, 12)
    inp = {
        "tokens": jax.random.normal(ks[0], (B, S, TD), dtype=jnp.float32),
        "states": jax.random.normal(ks[1], (B, N, SD), dtype=jnp.float32),
        "router_w": jax.random.normal(ks[2], (SD, TD), dtype=jnp.float32) * 0.02,
        "router_b": jnp.zeros((SD,), dtype=jnp.float32),
        "q_w": jax.random.normal(ks[3], (SD, TD), dtype=jnp.float32) * 0.02,
        "q_b": jnp.zeros((SD,), dtype=jnp.float32),
        "k_w": jax.random.normal(ks[4], (SD, SD), dtype=jnp.float32) * 0.02,
        "k_b": jnp.zeros((SD,), dtype=jnp.float32),
        "v_w": jax.random.normal(ks[5], (SD, SD), dtype=jnp.float32) * 0.02,
        "v_b": jnp.zeros((SD,), dtype=jnp.float32),
        "out_w": jax.random.normal(ks[6], (SD, SD), dtype=jnp.float32) * 0.02,
        "out_b": jnp.zeros((SD,), dtype=jnp.float32),
    }
    return inp


def reference(tokens, states, router_w, router_b, q_w, q_b, k_w, k_b, v_w, v_b, out_w, out_b):
    b, s, _ = tokens.shape
    n = states.shape[1]
    hd = SD // H
    scale = hd ** (-0.5)
    # routing scores: [B, S, N]
    routed = tokens @ router_w.T + router_b
    routing_scores = routed @ jnp.swapaxes(states, -2, -1)
    _, top_k_idx = jax.lax.top_k(routing_scores, min(K, n))  # [B, S, K]
    # gather selected states per batch: [B, S, K, SD]
    selected_states = jax.vmap(lambda st, ix: st[ix])(states, top_k_idx)
    q = tokens @ q_w.T + q_b                    # [B, S, SD]
    k = selected_states @ k_w.T + k_b           # [B, S, K, SD]
    v = selected_states @ v_w.T + v_b           # [B, S, K, SD]
    q = q.reshape(b, s, H, hd).transpose(0, 2, 1, 3)            # [B, H, S, hd]
    k = k.reshape(b, s, K, H, hd).transpose(0, 3, 1, 2, 4)      # [B, H, S, K, hd]
    v = v.reshape(b, s, K, H, hd).transpose(0, 3, 1, 2, 4)      # [B, H, S, K, hd]
    attn_scores = jnp.einsum('bhsd,bhskd->bhsk', q, k) * scale  # [B, H, S, K]
    attn_weights = jax.nn.softmax(attn_scores, axis=-1)
    # dropout p=0.0 -> identity
    output = jnp.einsum('bhsk,bhskd->bhsd', attn_weights, v)    # [B, H, S, hd]
    output = output.transpose(0, 2, 1, 3).reshape(b, s, SD)
    output = output @ out_w.T + out_b
    return (output, attn_weights)

if __name__ == "__main__":
    import jax
    _d = setup_inputs()
    print(jax.jit(kernel)(*tuple(_d.values())))

</pallas_src>

<mosaic_0001>
#map = affine_map<(d0, d1) -> (0, 0)>
#map1 = affine_map<(d0, d1) -> (0)>
module attributes {stable_mosaic.version = 14 : i64} {
  func.func @gather_k(%arg0: i32, %arg1: i32, %arg2: memref<1024x1024xi32, #tpu.memory_space<hbm>>, %arg3: memref<16384xi32, #tpu.memory_space<hbm>>, %arg4: memref<16384x1024xi32, #tpu.memory_space<hbm>>, %arg5: memref<64xi32, #tpu.memory_space<vmem>>, %arg6: memref<64x1024xi32, #tpu.memory_space<vmem>>, %arg7: memref<!tpu.dma_semaphore, #tpu.memory_space<semaphore_mem>>) attributes {dimension_semantics = [#tpu.dimension_semantics<core_parallel>, #tpu.dimension_semantics<subcore_parallel>], iteration_bounds = array<i64: 2, 16>, scalar_prefetch = 0 : i64, scratch_operands = 3 : i64, tpu.core_type = #tpu.core_type<sc_vector_subcore>, window_params = [{transform_indices = #map}, {transform_indices = #map1}, {transform_indices = #map}]} {
    %mul3A = arith.constant 2 : i32
    %mul3A_0 = arith.muli %arg1, %mul3A : i32
    %add3A = arith.addi %mul3A_0, %arg0 : i32
    %mul3A_1 = arith.constant 512 : i32
    %mul3A_2 = arith.muli %add3A, %mul3A_1 : i32
    %scan3A = arith.constant 0 : i32
    %scan3A_3 = arith.constant 0 : i32
    %scan3A_4 = arith.constant 8 : i32
    %scan3A_5 = arith.addi %scan3A_3, %scan3A_4 : i32
    %scan3A_6 = arith.constant 1 : i32
    scf.for %scan3A_8 = %scan3A_3 to %scan3A_5 step %scan3A_6  : i32 {
      %mul3A_9 = arith.constant 64 : i32
      %mul3A_10 = arith.muli %scan3A_8, %mul3A_9 : i32
      %add3A_11 = arith.addi %mul3A_2, %mul3A_10 : i32
      "tpu.region"() ({
        %run_scoped3A = tpu.sem_alloc : memref<!tpu.dma_semaphore, #tpu.memory_space<semaphore_mem>>
        %dma_start3A_16 = tpu.memref_slice %arg3[%add3A_11] : memref<16384xi32, #tpu.memory_space<hbm>> -> memref<64xi32, #tpu.memory_space<hbm>>
        %dma_start3A_17 = tpu.memref_slice %arg3[%add3A_11] : memref<16384xi32, #tpu.memory_space<hbm>> -> memref<64xi32, #tpu.memory_space<hbm>>
        tpu.enqueue_dma source(%dma_start3A_17 : memref<64xi32, #tpu.memory_space<hbm>>) target(%arg5 : memref<64xi32, #tpu.memory_space<vmem>>) target_semaphore(%run_scoped3A : memref<!tpu.dma_semaphore, #tpu.memory_space<semaphore_mem>>)
        %dma_wait3A_18 = tpu.memref_slice %arg3[%add3A_11] : memref<16384xi32, #tpu.memory_space<hbm>> -> memref<64xi32, #tpu.memory_space<hbm>>
        %dma_wait3A_19 = tpu.memref_slice %arg3[%add3A_11] : memref<16384xi32, #tpu.memory_space<hbm>> -> memref<64xi32, #tpu.memory_space<hbm>>
        tpu.wait_dma2 semaphore(%run_scoped3A : memref<!tpu.dma_semaphore, #tpu.memory_space<semaphore_mem>>) src(%dma_wait3A_19 : memref<64xi32, #tpu.memory_space<hbm>>) dst(%arg5 : memref<64xi32, #tpu.memory_space<vmem>>)
        tpu.yield
      }) : () -> ()
      %dma_start3A = arith.constant 0 : i32
      %dma_start3A_12 = arith.constant 0 : i32
      %dma_start3A_13 = tpu.memref_slice %arg2[%dma_start3A, %dma_start3A_12] : memref<1024x1024xi32, #tpu.memory_space<hbm>> -> memref<1024x1024xi32, #tpu.memory_space<hbm>>
      tpu.enqueue_indirect_dma source(%dma_start3A_13 : memref<1024x1024xi32, #tpu.memory_space<hbm>>) target(%arg6 : memref<64x1024xi32, #tpu.memory_space<vmem>>) offsets(%arg5 : memref<64xi32, #tpu.memory_space<vmem>>) semaphore(%arg7 : memref<!tpu.dma_semaphore, #tpu.memory_space<semaphore_mem>>)
      %dma_wait3A = arith.constant 0 : i32
      %dma_wait3A_14 = arith.constant 0 : i32
      %dma_wait3A_15 = tpu.memref_slice %arg2[%dma_wait3A, %dma_wait3A_14] : memref<1024x1024xi32, #tpu.memory_space<hbm>> -> memref<1024x1024xi32, #tpu.memory_space<hbm>>
      tpu.wait_indirect_dma semaphore(%arg7 : memref<!tpu.dma_semaphore, #tpu.memory_space<semaphore_mem>>) src(%dma_wait3A_15 : memref<1024x1024xi32, #tpu.memory_space<hbm>>) dst(%arg6 : memref<64x1024xi32, #tpu.memory_space<vmem>>)
      "tpu.region"() ({
        %run_scoped3A = tpu.sem_alloc : memref<!tpu.dma_semaphore, #tpu.memory_space<semaphore_mem>>
        %dma_start3A_16 = arith.constant 0 : i32
        %dma_start3A_17 = tpu.memref_slice %arg4[%add3A_11, %dma_start3A_16] : memref<16384x1024xi32, #tpu.memory_space<hbm>> -> memref<64x1024xi32, #tpu.memory_space<hbm>>
        %dma_start3A_18 = arith.constant 0 : i32
        %dma_start3A_19 = tpu.memref_slice %arg4[%add3A_11, %dma_start3A_18] : memref<16384x1024xi32, #tpu.memory_space<hbm>> -> memref<64x1024xi32, #tpu.memory_space<hbm>>
        tpu.enqueue_dma source(%arg6 : memref<64x1024xi32, #tpu.memory_space<vmem>>) target(%dma_start3A_19 : memref<64x1024xi32, #tpu.memory_space<hbm>>) target_semaphore(%run_scoped3A : memref<!tpu.dma_semaphore, #tpu.memory_space<semaphore_mem>>)
        %dma_wait3A_20 = arith.constant 0 : i32
        %dma_wait3A_21 = tpu.memref_slice %arg4[%add3A_11, %dma_wait3A_20] : memref<16384x1024xi32, #tpu.memory_space<hbm>> -> memref<64x1024xi32, #tpu.memory_space<hbm>>
        %dma_wait3A_22 = arith.constant 0 : i32
        %dma_wait3A_23 = tpu.memref_slice %arg4[%add3A_11, %dma_wait3A_22] : memref<16384x1024xi32, #tpu.memory_space<hbm>> -> memref<64x1024xi32, #tpu.memory_space<hbm>>
        tpu.wait_dma2 semaphore(%run_scoped3A : memref<!tpu.dma_semaphore, #tpu.memory_space<semaphore_mem>>) src(%arg6 : memref<64x1024xi32, #tpu.memory_space<vmem>>) dst(%dma_wait3A_23 : memref<64x1024xi32, #tpu.memory_space<hbm>>)
        tpu.yield
      }) : () -> ()
    }
    %scan3A_7 = arith.constant 8 : i32
    return
  }
}

#map = affine_map<(d0, d1) -> (0, 0)>
#map1 = affine_map<(d0, d1) -> (0)>
module attributes {stable_mosaic.version = 14 : i64} {
  func.func @gather_k(%arg0: i32, %arg1: i32, %arg2: memref<1024x1024xi32, #tpu.memory_space<hbm>>, %arg3: memref<16384xi32, #tpu.memory_space<hbm>>, %arg4: memref<16384x1024xi32, #tpu.memory_space<hbm>>, %arg5: memref<64xi32, #tpu.memory_space<vmem>>, %arg6: memref<64x1024xi32, #tpu.memory_space<vmem>>, %arg7: memref<!tpu.dma_semaphore, #tpu.memory_space<semaphore_mem>>) attributes {dimension_semantics = [#tpu.dimension_semantics<core_parallel>, #tpu.dimension_semantics<subcore_parallel>], iteration_bounds = array<i64: 2, 16>, scalar_prefetch = 0 : i64, scratch_operands = 3 : i64, tpu.core_type = #tpu.core_type<sc_vector_subcore>, window_params = [{transform_indices = #map}, {transform_indices = #map1}, {transform_indices = #map}]} {
    %mul3A = arith.constant 2 : i32
    %mul3A_0 = arith.muli %arg1, %mul3A : i32
    %add3A = arith.addi %mul3A_0, %arg0 : i32
    %mul3A_1 = arith.constant 512 : i32
    %mul3A_2 = arith.muli %add3A, %mul3A_1 : i32
    %scan3A = arith.constant 0 : i32
    %scan3A_3 = arith.constant 0 : i32
    %scan3A_4 = arith.constant 8 : i32
    %scan3A_5 = arith.addi %scan3A_3, %scan3A_4 : i32
    %scan3A_6 = arith.constant 1 : i32
    scf.for %scan3A_8 = %scan3A_3 to %scan3A_5 step %scan3A_6  : i32 {
      %mul3A_9 = arith.constant 64 : i32
      %mul3A_10 = arith.muli %scan3A_8, %mul3A_9 : i32
      %add3A_11 = arith.addi %mul3A_2, %mul3A_10 : i32
      "tpu.region"() ({
        %run_scoped3A = tpu.sem_alloc : memref<!tpu.dma_semaphore, #tpu.memory_space<semaphore_mem>>
        %dma_start3A_16 = tpu.memref_slice %arg3[%add3A_11] : memref<16384xi32, #tpu.memory_space<hbm>> -> memref<64xi32, #tpu.memory_space<hbm>>
        %dma_start3A_17 = tpu.memref_slice %arg3[%add3A_11] : memref<16384xi32, #tpu.memory_space<hbm>> -> memref<64xi32, #tpu.memory_space<hbm>>
        tpu.enqueue_dma source(%dma_start3A_17 : memref<64xi32, #tpu.memory_space<hbm>>) target(%arg5 : memref<64xi32, #tpu.memory_space<vmem>>) target_semaphore(%run_scoped3A : memref<!tpu.dma_semaphore, #tpu.memory_space<semaphore_mem>>)
        %dma_wait3A_18 = tpu.memref_slice %arg3[%add3A_11] : memref<16384xi32, #tpu.memory_space<hbm>> -> memref<64xi32, #tpu.memory_space<hbm>>
        %dma_wait3A_19 = tpu.memref_slice %arg3[%add3A_11] : memref<16384xi32, #tpu.memory_space<hbm>> -> memref<64xi32, #tpu.memory_space<hbm>>
        tpu.wait_dma2 semaphore(%run_scoped3A : memref<!tpu.dma_semaphore, #tpu.memory_space<semaphore_mem>>) src(%dma_wait3A_19 : memref<64xi32, #tpu.memory_space<hbm>>) dst(%arg5 : memref<64xi32, #tpu.memory_space<vmem>>)
        tpu.yield
      }) : () -> ()
      %dma_start3A = arith.constant 0 : i32
      %dma_start3A_12 = arith.constant 0 : i32
      %dma_start3A_13 = tpu.memref_slice %arg2[%dma_start3A, %dma_start3A_12] : memref<1024x1024xi32, #tpu.memory_space<hbm>> -> memref<1024x1024xi32, #tpu.memory_space<hbm>>
      tpu.enqueue_indirect_dma source(%dma_start3A_13 : memref<1024x1024xi32, #tpu.memory_space<hbm>>) target(%arg6 : memref<64x1024xi32, #tpu.memory_space<vmem>>) offsets(%arg5 : memref<64xi32, #tpu.memory_space<vmem>>) semaphore(%arg7 : memref<!tpu.dma_semaphore, #tpu.memory_space<semaphore_mem>>)
      %dma_wait3A = arith.constant 0 : i32
      %dma_wait3A_14 = arith.constant 0 : i32
      %dma_wait3A_15 = tpu.memref_slice %arg2[%dma_wait3A, %dma_wait3A_14] : memref<1024x1024xi32, #tpu.memory_space<hbm>> -> memref<1024x1024xi32, #tpu.memory_space<hbm>>
      tpu.wait_indirect_dma semaphore(%arg7 : memref<!tpu.dma_semaphore, #tpu.memory_space<semaphore_mem>>) src(%dma_wait3A_15 : memref<1024x1024xi32, #tpu.memory_space<hbm>>) dst(%arg6 : memref<64x1024xi32, #tpu.memory_space<vmem>>)
      "tpu.region"() ({
        %run_scoped3A = tpu.sem_alloc : memref<!tpu.dma_semaphore, #tpu.memory_space<semaphore_mem>>
        %dma_start3A_16 = arith.constant 0 : i32
        %dma_start3A_17 = tpu.memref_slice %arg4[%add3A_11, %dma_start3A_16] : memref<16384x1024xi32, #tpu.memory_space<hbm>> -> memref<64x1024xi32, #tpu.memory_space<hbm>>
        %dma_start3A_18 = arith.constant 0 : i32
        %dma_start3A_19 = tpu.memref_slice %arg4[%add3A_11, %dma_start3A_18] : memref<16384x1024xi32, #tpu.memory_space<hbm>> -> memref<64x1024xi32, #tpu.memory_space<hbm>>
        tpu.enqueue_dma source(%arg6 : memref<64x1024xi32, #tpu.memory_space<vmem>>) target(%dma_start3A_19 : memref<64x1024xi32, #tpu.memory_space<hbm>>) target_semaphore(%run_scoped3A : memref<!tpu.dma_semaphore, #tpu.memory_space<semaphore_mem>>)
        %dma_wait3A_20 = arith.constant 0 : i32
        %dma_wait3A_21 = tpu.memref_slice %arg4[%add3A_11, %dma_wait3A_20] : memref<16384x1024xi32, #tpu.memory_space<hbm>> -> memref<64x1024xi32, #tpu.memory_space<hbm>>
        %dma_wait3A_22 = arith.constant 0 : i32
        %dma_wait3A_23 = tpu.memref_slice %arg4[%add3A_11, %dma_wait3A_22] : memref<16384x1024xi32, #tpu.memory_space<hbm>> -> memref<64x1024xi32, #tpu.memory_space<hbm>>
        tpu.wait_dma2 semaphore(%run_scoped3A : memref<!tpu.dma_semaphore, #tpu.memory_space<semaphore_mem>>) src(%arg6 : memref<64x1024xi32, #tpu.memory_space<vmem>>) dst(%dma_wait3A_23 : memref<64x1024xi32, #tpu.memory_space<hbm>>)
        tpu.yield
      }) : () -> ()
    }
    %scan3A_7 = arith.constant 8 : i32
    return
  }
}

module attributes {stable_mosaic.version = 14 : i64} {
  func.func @_kv_body(%arg0: i32, %arg1: memref<1x1024x1024xf32, #tpu.memory_space<vmem>>, %arg2: memref<1024x1024xf32, #tpu.memory_space<vmem>>, %arg3: memref<1024x1024xf32, #tpu.memory_space<vmem>>, %arg4: memref<1x1024xf32, #tpu.memory_space<vmem>>, %arg5: memref<1x1024xf32, #tpu.memory_space<vmem>>, %arg6: memref<1x1024x1024xi32, #tpu.memory_space<vmem>>) attributes {dimension_semantics = [#tpu.dimension_semantics<arbitrary>], iteration_bounds = array<i64: 2>, scalar_prefetch = 0 : i64, scratch_operands = 0 : i64, tpu.core_type = #tpu.core_type<tc>, window_params = [{transform_indices = @transform_0, window_bounds = array<i64: 1, 1024, 1024>}, {pipeline_mode = #tpu.pipeline_mode<synchronous>, transform_indices = @transform_1, window_bounds = array<i64: 1024, 1024>}, {pipeline_mode = #tpu.pipeline_mode<synchronous>, transform_indices = @transform_2, window_bounds = array<i64: 1024, 1024>}, {pipeline_mode = #tpu.pipeline_mode<synchronous>, transform_indices = @transform_3, window_bounds = array<i64: 1, 1024>}, {pipeline_mode = #tpu.pipeline_mode<synchronous>, transform_indices = @transform_4, window_bounds = array<i64: 1, 1024>}, {transform_indices = @transform_5, window_bounds = array<i64: 1, 1024, 1024>}]} {
    %get3A = arith.constant 0 : index
    %get3A_0 = arith.constant 0 : index
    %get3A_1 = arith.constant 0 : index
    %get3A_2 = vector.load %arg1[%get3A, %get3A_0, %get3A_1] : memref<1x1024x1024xf32, #tpu.memory_space<vmem>>, vector<1x1024x1024xf32>
    %get3A_3 = vector.shape_cast %get3A_2 : vector<1x1024x1024xf32> to vector<1024x1024xf32>
    %get3A_4 = arith.constant 0 : index
    %get3A_5 = arith.constant 0 : index
    %get3A_6 = vector.load %arg2[%get3A_4, %get3A_5] : memref<1024x1024xf32, #tpu.memory_space<vmem>>, vector<1024x1024xf32>
    %dot_general3A = arith.constant dense<0.000000e+00> : vector<1024x1024xf32>
    %dot_general3A_7 = tpu.matmul %get3A_3, %get3A_6, %dot_general3A {dimension_numbers = #tpu.dot_dimension_numbers<[1], [1], [0], [0], [0, 0, 1, 0], [], []>, transpose_lhs_hint = false} : vector<1024x1024xf32>, vector<1024x1024xf32>, vector<1024x1024xf32> -> vector<1024x1024xf32>
    %get3A_8 = arith.constant 0 : index
    %get3A_9 = arith.constant 0 : index
    %get3A_10 = vector.load %arg4[%get3A_8, %get3A_9] : memref<1x1024xf32, #tpu.memory_space<vmem>>, vector<1x1024xf32>
    %add3A = vector.broadcast %get3A_10 : vector<1x1024xf32> to vector<1024x1024xf32>
    %add3A_11 = arith.addf %dot_general3A_7, %add3A : vector<1024x1024xf32>
    %convert_element_type3A = arith.truncf %add3A_11 : vector<1024x1024xf32> to vector<1024x1024xbf16>
    %slice3A = vector.extract_strided_slice %convert_element_type3A {offsets = [0, 0], sizes = [1024, 512], strides = [1, 1]} : vector<1024x1024xbf16> to vector<1024x512xbf16>
    %bitcast_convert_type3A = tpu.bitcast %slice3A : vector<1024x512xbf16> -> vector<1024x512xi16>
    %convert_element_type3A_12 = arith.extui %bitcast_convert_type3A : vector<1024x512xi16> to vector<1024x512xi32>
    %slice3A_13 = vector.extract_strided_slice %convert_element_type3A {offsets = [0, 512], sizes = [1024, 512], strides = [1, 1]} : vector<1024x1024xbf16> to vector<1024x512xbf16>
    %bitcast_convert_type3A_14 = tpu.bitcast %slice3A_13 : vector<1024x512xbf16> -> vector<1024x512xi16>
    %convert_element_type3A_15 = arith.extui %bitcast_convert_type3A_14 : vector<1024x512xi16> to vector<1024x512xi32>
    %shift_left3A = arith.constant 16 : i32
    %shift_left3A_16 = vector.broadcast %shift_left3A : i32 to vector<1024x512xi32>
    %shift_left3A_17 = arith.shli %convert_element_type3A_15, %shift_left3A_16 : vector<1024x512xi32>
    %or3A = arith.ori %convert_element_type3A_12, %shift_left3A_17 : vector<1024x512xi32>
    %bitcast_convert_type3A_18 = tpu.bitcast %or3A : vector<1024x512xi32> -> vector<1024x512xi32>
    %swap3A = arith.constant 0 : index
    %swap3A_19 = arith.constant 0 : index
    %swap3A_20 = arith.constant 0 : index
    %swap3A_21 = vector.load %arg6[%swap3A, %swap3A_19, %swap3A_20] : memref<1x1024x1024xi32, #tpu.memory_space<vmem>>, vector<1x1024x512xi32>
    %swap3A_22 = vector.shape_cast %swap3A_21 : vector<1x1024x512xi32> to vector<1024x512xi32>
    %swap3A_23 = vector.shape_cast %bitcast_convert_type3A_18 : vector<1024x512xi32> to vector<1x1024x512xi32>
    tpu.vector_store %arg6[%swap3A, %swap3A_19, %swap3A_20], %swap3A_23 {strides = array<i32>} : memref<1x1024x1024xi32, #tpu.memory_space<vmem>>, vector<1x1024x512xi32>,
    %get3A_24 = arith.constant 0 : index
    %get3A_25 = arith.constant 0 : index
    %get3A_26 = vector.load %arg3[%get3A_24, %get3A_25] : memref<1024x1024xf32, #tpu.memory_space<vmem>>, vector<1024x1024xf32>
    %dot_general3A_27 = arith.constant dense<0.000000e+00> : vector<1024x1024xf32>
    %dot_general3A_28 = tpu.matmul %get3A_3, %get3A_26, %dot_general3A_27 {dimension_numbers = #tpu.dot_dimension_numbers<[1], [1], [0], [0], [0, 0, 1, 0], [], []>, transpose_lhs_hint = false} : vector<1024x1024xf32>, vector<1024x1024xf32>, vector<1024x1024xf32> -> vector<1024x1024xf32>
    %get3A_29 = arith.constant 0 : index
    %get3A_30 = arith.constant 0 : index
    %get3A_31 = vector.load %arg5[%get3A_29, %get3A_30] : memref<1x1024xf32, #tpu.memory_space<vmem>>, vector<1x1024xf32>
    %add3A_32 = vector.broadcast %get3A_31 : vector<1x1024xf32> to vector<1024x1024xf32>
    %add3A_33 = arith.addf %dot_general3A_28, %add3A_32 : vector<1024x1024xf32>
    %convert_element_type3A_34 = arith.truncf %add3A_33 : vector<1024x1024xf32> to vector<1024x1024xbf16>
    %slice3A_35 = vector.extract_strided_slice %convert_element_type3A_34 {offsets = [0, 0], sizes = [1024, 512], strides = [1, 1]} : vector<1024x1024xbf16> to vector<1024x512xbf16>
    %bitcast_convert_type3A_36 = tpu.bitcast %slice3A_35 : vector<1024x512xbf16> -> vector<1024x512xi16>
    %convert_element_type3A_37 = arith.extui %bitcast_convert_type3A_36 : vector<1024x512xi16> to vector<1024x512xi32>
    %slice3A_38 = vector.extract_strided_slice %convert_element_type3A_34 {offsets = [0, 512], sizes = [1024, 512], strides = [1, 1]} : vector<1024x1024xbf16> to vector<1024x512xbf16>
    %bitcast_convert_type3A_39 = tpu.bitcast %slice3A_38 : vector<1024x512xbf16> -> vector<1024x512xi16>
    %convert_element_type3A_40 = arith.extui %bitcast_convert_type3A_39 : vector<1024x512xi16> to vector<1024x512xi32>
    %shift_left3A_41 = arith.constant 16 : i32
    %shift_left3A_42 = vector.broadcast %shift_left3A_41 : i32 to vector<1024x512xi32>
    %shift_left3A_43 = arith.shli %convert_element_type3A_40, %shift_left3A_42 : vector<1024x512xi32>
    %or3A_44 = arith.ori %convert_element_type3A_37, %shift_left3A_43 : vector<1024x512xi32>
    %bitcast_convert_type3A_45 = tpu.bitcast %or3A_44 : vector<1024x512xi32> -> vector<1024x512xi32>
    %swap3A_46 = arith.constant 0 : index
    %swap3A_47 = arith.constant 0 : index
    %swap3A_48 = arith.constant 512 : index
    %swap3A_49 = vector.load %arg6[%swap3A_46, %swap3A_47, %swap3A_48] : memref<1x1024x1024xi32, #tpu.memory_space<vmem>>, vector<1x1024x512xi32>
    %swap3A_50 = vector.shape_cast %swap3A_49 : vector<1x1024x512xi32> to vector<1024x512xi32>
    %swap3A_51 = vector.shape_cast %bitcast_convert_type3A_45 : vector<1024x512xi32> to vector<1x1024x512xi32>
    tpu.vector_store %arg6[%swap3A_46, %swap3A_47, %swap3A_48], %swap3A_51 {strides = array<i32>} : memref<1x1024x1024xi32, #tpu.memory_space<vmem>>, vector<1x1024x512xi32>,
    return
  }
  func.func @transform_0(%arg0: i32) -> (i32, i32, i32) {
    %c0_i32 = arith.constant 0 : i32
    %c0_i32_0 = arith.constant 0 : i32
    %c0_i32_1 = arith.constant 0 : i32
    return %arg0, %c0_i32, %c0_i32_0 : i32, i32, i32
  }
  func.func @transform_1(%arg0: i32) -> (i32, i32) {
    %c0_i32 = arith.constant 0 : i32
    %c0_i32_0 = arith.constant 0 : i32
    %c0_i32_1 = arith.constant 0 : i32
    return %c0_i32, %c0_i32_0 : i32, i32
  }
  func.func @transform_2(%arg0: i32) -> (i32, i32) {
    %c0_i32 = arith.constant 0 : i32
    %c0_i32_0 = arith.constant 0 : i32
    %c0_i32_1 = arith.constant 0 : i32
    return %c0_i32, %c0_i32_0 : i32, i32
  }
  func.func @transform_3(%arg0: i32) -> (i32, i32) {
    %c0_i32 = arith.constant 0 : i32
    %c0_i32_0 = arith.constant 0 : i32
    %c0_i32_1 = arith.constant 0 : i32
    return %c0_i32, %c0_i32_0 : i32, i32
  }
  func.func @transform_4(%arg0: i32) -> (i32, i32) {
    %c0_i32 = arith.constant 0 : i32
    %c0_i32_0 = arith.constant 0 : i32
    %c0_i32_1 = arith.constant 0 : i32
    return %c0_i32, %c0_i32_0 : i32, i32
  }
  func.func @transform_5(%arg0: i32) -> (i32, i32, i32) {
    %c0_i32 = arith.constant 0 : i32
    %c0_i32_0 = arith.constant 0 : i32
    %c0_i32_1 = arith.constant 0 : i32
    return %arg0, %c0_i32, %c0_i32_0 : i32, i32, i32
  }
}

module attributes {stable_mosaic.version = 14 : i64} {
  func.func @_route_body(%arg0: i32, %arg1: memref<512x1024xf32, #tpu.memory_space<vmem>>, %arg2: memref<1024x1024xf32, #tpu.memory_space<vmem>>, %arg3: memref<1024x1024xf32, #tpu.memory_space<vmem>>, %arg4: memref<1x1024xf32, #tpu.memory_space<vmem>>, %arg5: memref<1024x1024xf32, #tpu.memory_space<vmem>>, %arg6: memref<1x1024xf32, #tpu.memory_space<vmem>>, %arg7: memref<512x8xi32, #tpu.memory_space<vmem>>, %arg8: memref<512x1024xf32, #tpu.memory_space<vmem>>) attributes {dimension_semantics = [#tpu.dimension_semantics<arbitrary>], iteration_bounds = array<i64: 4>, scalar_prefetch = 0 : i64, scratch_operands = 0 : i64, tpu.core_type = #tpu.core_type<tc>, window_params = [{transform_indices = @transform_0, window_bounds = array<i64: 512, 1024>}, {pipeline_mode = #tpu.pipeline_mode<synchronous>, transform_indices = @transform_1, window_bounds = array<i64: 1024, 1024>}, {pipeline_mode = #tpu.pipeline_mode<synchronous>, transform_indices = @transform_2, window_bounds = array<i64: 1024, 1024>}, {pipeline_mode = #tpu.pipeline_mode<synchronous>, transform_indices = @transform_3, window_bounds = array<i64: 1, 1024>}, {pipeline_mode = #tpu.pipeline_mode<synchronous>, transform_indices = @transform_4, window_bounds = array<i64: 1024, 1024>}, {pipeline_mode = #tpu.pipeline_mode<synchronous>, transform_indices = @transform_5, window_bounds = array<i64: 1, 1024>}, {transform_indices = @transform_6, window_bounds = array<i64: 512, 8>}, {transform_indices = @transform_7, window_bounds = array<i64: 512, 1024>}]} {
    %get3A = arith.constant 0 : index
    %get3A_0 = arith.constant 0 : index
    %get3A_1 = vector.load %arg1[%get3A, %get3A_0] : memref<512x1024xf32, #tpu.memory_space<vmem>>, vector<512x1024xf32>
    %get3A_2 = arith.constant 0 : index
    %get3A_3 = arith.constant 0 : index
    %get3A_4 = vector.load %arg3[%get3A_2, %get3A_3] : memref<1024x1024xf32, #tpu.memory_space<vmem>>, vector<1024x1024xf32>
    %dot_general3A = arith.constant dense<0.000000e+00> : vector<512x1024xf32>
    %dot_general3A_5 = tpu.matmul %get3A_1, %get3A_4, %dot_general3A {dimension_numbers = #tpu.dot_dimension_numbers<[1], [1], [0], [0], [0, 0, 1, 0], [], []>, transpose_lhs_hint = false} : vector<512x1024xf32>, vector<1024x1024xf32>, vector<512x1024xf32> -> vector<512x1024xf32>
    %get3A_6 = arith.constant 0 : index
    %get3A_7 = arith.constant 0 : index
    %get3A_8 = vector.load %arg4[%get3A_6, %get3A_7] : memref<1x1024xf32, #tpu.memory_space<vmem>>, vector<1x1024xf32>
    %add3A = vector.broadcast %get3A_8 : vector<1x1024xf32> to vector<512x1024xf32>
    %add3A_9 = arith.addf %dot_general3A_5, %add3A : vector<512x1024xf32>
    %get3A_10 = arith.constant 0 : index
    %get3A_11 = arith.constant 0 : index
    %get3A_12 = vector.load %arg2[%get3A_10, %get3A_11] : memref<1024x1024xf32, #tpu.memory_space<vmem>>, vector<1024x1024xf32>
    %dot_general3A_13 = arith.constant dense<0.000000e+00> : vector<512x1024xf32>
    %dot_general3A_14 = tpu.matmul %add3A_9, %get3A_12, %dot_general3A_13 {dimension_numbers = #tpu.dot_dimension_numbers<[1], [1], [0], [0], [0, 0, 1, 0], [], []>, transpose_lhs_hint = false} : vector<512x1024xf32>, vector<1024x1024xf32>, vector<512x1024xf32> -> vector<512x1024xf32>
    %iota3A = tpu.iota {dimensions = array<i32: 1>} : vector<512x1024xi32>
    %reduce_max3A = arith.constant dense<0xFF800000> : vector<512xf32>
    %reduce_max3A_15 = vector.multi_reduction <maximumf>, %dot_general3A_14, %reduce_max3A [1] : vector<512x1024xf32> to vector<512xf32>
    %broadcast_in_dim3A = vector.shape_cast %reduce_max3A_15 : vector<512xf32> to vector<512x1xf32>
    %eq3A = vector.broadcast %broadcast_in_dim3A : vector<512x1xf32> to vector<512x1024xf32>
    %eq3A_16 = arith.cmpf oeq, %dot_general3A_14, %eq3A : vector<512x1024xf32>
    %jit3A = arith.constant 1024 : i32
    %broadcast_in_dim3A_17 = vector.broadcast %jit3A : i32 to vector<512x1024xi32>
    %select_n3A = arith.select %eq3A_16, %iota3A, %broadcast_in_dim3A_17 : vector<512x1024xi1>, vector<512x1024xi32>
    %reduce_min3A = arith.constant dense<2147483647> : vector<512xi32>
    %reduce_min3A_18 = vector.multi_reduction <minsi>, %select_n3A, %reduce_min3A [1] : vector<512x1024xi32> to vector<512xi32>
    %broadcast_in_dim3A_19 = vector.shape_cast %reduce_min3A_18 : vector<512xi32> to vector<512x1xi32>
    %eq3A_20 = vector.broadcast %broadcast_in_dim3A_19 : vector<512x1xi32> to vector<512x1024xi32>
    %eq3A_21 = arith.cmpi eq, %iota3A, %eq3A_20 : vector<512x1024xi32>
    %jit3A_22 = arith.constant -3.000000e+38 : f32
    %broadcast_in_dim3A_23 = vector.broadcast %jit3A_22 : f32 to vector<512x1024xf32>
    %select_n3A_24 = arith.select %eq3A_21, %broadcast_in_dim3A_23, %dot_general3A_14 : vector<512x1024xi1>, vector<512x1024xf32>
    %reduce_max3A_25 = arith.constant dense<0xFF800000> : vector<512xf32>
    %reduce_max3A_26 = vector.multi_reduction <maximumf>, %select_n3A_24, %reduce_max3A_25 [1] : vector<512x1024xf32> to vector<512xf32>
    %broadcast_in_dim3A_27 = vector.shape_cast %reduce_max3A_26 : vector<512xf32> to vector<512x1xf32>
    %eq3A_28 = vector.broadcast %broadcast_in_dim3A_27 : vector<512x1xf32> to vector<512x1024xf32>
    %eq3A_29 = arith.cmpf oeq, %select_n3A_24, %eq3A_28 : vector<512x1024xf32>
    %jit3A_30 = arith.constant 1024 : i32
    %broadcast_in_dim3A_31 = vector.broadcast %jit3A_30 : i32 to vector<512x1024xi32>
    %select_n3A_32 = arith.select %eq3A_29, %iota3A, %broadcast_in_dim3A_31 : vector<512x1024xi1>, vector<512x1024xi32>
    %reduce_min3A_33 = arith.constant dense<2147483647> : vector<512xi32>
    %reduce_min3A_34 = vector.multi_reduction <minsi>, %select_n3A_32, %reduce_min3A_33 [1] : vector<512x1024xi32> to vector<512xi32>
    %broadcast_in_dim3A_35 = vector.shape_cast %reduce_min3A_34 : vector<512xi32> to vector<512x1xi32>
    %eq3A_36 = vector.broadcast %broadcast_in_dim3A_35 : vector<512x1xi32> to vector<512x1024xi32>
    %eq3A_37 = arith.cmpi eq, %iota3A, %eq3A_36 : vector<512x1024xi32>
    %jit3A_38 = arith.constant -3.000000e+38 : f32
    %broadcast_in_dim3A_39 = vector.broadcast %jit3A_38 : f32 to vector<512x1024xf32>
    %select_n3A_40 = arith.select %eq3A_37, %broadcast_in_dim3A_39, %select_n3A_24 : vector<512x1024xi1>, vector<512x1024xf32>
    %reduce_max3A_41 = arith.constant dense<0xFF800000> : vector<512xf32>
    %reduce_max3A_42 = vector.multi_reduction <maximumf>, %select_n3A_40, %reduce_max3A_41 [1] : vector<512x1024xf32> to vector<512xf32>
    %broadcast_in_dim3A_43 = vector.shape_cast %reduce_max3A_42 : vector<512xf32> to vector<512x1xf32>
    %eq3A_44 = vector.broadcast %broadcast_in_dim3A_43 : vector<512x1xf32> to vector<512x1024xf32>
    %eq3A_45 = arith.cmpf oeq, %select_n3A_40, %eq3A_44 : vector<512x1024xf32>
    %jit3A_46 = arith.constant 1024 : i32
    %broadcast_in_dim3A_47 = vector.broadcast %jit3A_46 : i32 to vector<512x1024xi32>
    %select_n3A_48 = arith.select %eq3A_45, %iota3A, %broadcast_in_dim3A_47 : vector<512x1024xi1>, vector<512x1024xi32>
    %reduce_min3A_49 = arith.constant dense<2147483647> : vector<512xi32>
    %reduce_min3A_50 = vector.multi_reduction <minsi>, %select_n3A_48, %reduce_min3A_49 [1] : vector<512x1024xi32> to vector<512xi32>
    %broadcast_in_dim3A_51 = vector.shape_cast %reduce_min3A_50 : vector<512xi32> to vector<512x1xi32>
    %eq3A_52 = vector.broadcast %broadcast_in_dim3A_51 : vector<512x1xi32> to vector<512x1024xi32>
    %eq3A_53 = arith.cmpi eq, %iota3A, %eq3A_52 : vector<512x1024xi32>
    %jit3A_54 = arith.constant -3.000000e+38 : f32
    %broadcast_in_dim3A_55 = vector.broadcast %jit3A_54 : f32 to vector<512x1024xf32>
    %select_n3A_56 = arith.select %eq3A_53, %broadcast_in_dim3A_55, %select_n3A_40 : vector<512x1024xi1>, vector<512x1024xf32>
    %reduce_max3A_57 = arith.constant dense<0xFF800000> : vector<512xf32>
    %reduce_max3A_58 = vector.multi_reduction <maximumf>, %select_n3A_56, %reduce_max3A_57 [1] : vector<512x1024xf32> to vector<512xf32>
    %broadcast_in_dim3A_59 = vector.shape_cast %reduce_max3A_58 : vector<512xf32> to vector<512x1xf32>
    %eq3A_60 = vector.broadcast %broadcast_in_dim3A_59 : vector<512x1xf32> to vector<512x1024xf32>
    %eq3A_61 = arith.cmpf oeq, %select_n3A_56, %eq3A_60 : vector<512x1024xf32>
    %jit3A_62 = arith.constant 1024 : i32
    %broadcast_in_dim3A_63 = vector.broadcast %jit3A_62 : i32 to vector<512x1024xi32>
    %select_n3A_64 = arith.select %eq3A_61, %iota3A, %broadcast_in_dim3A_63 : vector<512x1024xi1>, vector<512x1024xi32>
    %reduce_min3A_65 = arith.constant dense<2147483647> : vector<512xi32>
    %reduce_min3A_66 = vector.multi_reduction <minsi>, %select_n3A_64, %reduce_min3A_65 [1] : vector<512x1024xi32> to vector<512xi32>
    %broadcast_in_dim3A_67 = vector.shape_cast %reduce_min3A_66 : vector<512xi32> to vector<512x1xi32>
    %eq3A_68 = vector.broadcast %broadcast_in_dim3A_67 : vector<512x1xi32> to vector<512x1024xi32>
    %eq3A_69 = arith.cmpi eq, %iota3A, %eq3A_68 : vector<512x1024xi32>
    %jit3A_70 = arith.constant -3.000000e+38 : f32
    %broadcast_in_dim3A_71 = vector.broadcast %jit3A_70 : f32 to vector<512x1024xf32>
    %select_n3A_72 = arith.select %eq3A_69, %broadcast_in_dim3A_71, %select_n3A_56 : vector<512x1024xi1>, vector<512x1024xf32>
    %reduce_max3A_73 = arith.constant dense<0xFF800000> : vector<512xf32>
    %reduce_max3A_74 = vector.multi_reduction <maximumf>, %select_n3A_72, %reduce_max3A_73 [1] : vector<512x1024xf32> to vector<512xf32>
    %broadcast_in_dim3A_75 = vector.shape_cast %reduce_max3A_74 : vector<512xf32> to vector<512x1xf32>
    %eq3A_76 = vector.broadcast %broadcast_in_dim3A_75 : vector<512x1xf32> to vector<512x1024xf32>
    %eq3A_77 = arith.cmpf oeq, %select_n3A_72, %eq3A_76 : vector<512x1024xf32>
    %jit3A_78 = arith.constant 1024 : i32
    %broadcast_in_dim3A_79 = vector.broadcast %jit3A_78 : i32 to vector<512x1024xi32>
    %select_n3A_80 = arith.select %eq3A_77, %iota3A, %broadcast_in_dim3A_79 : vector<512x1024xi1>, vector<512x1024xi32>
    %reduce_min3A_81 = arith.constant dense<2147483647> : vector<512xi32>
    %reduce_min3A_82 = vector.multi_reduction <minsi>, %select_n3A_80, %reduce_min3A_81 [1] : vector<512x1024xi32> to vector<512xi32>
    %broadcast_in_dim3A_83 = vector.shape_cast %reduce_min3A_82 : vector<512xi32> to vector<512x1xi32>
    %eq3A_84 = vector.broadcast %broadcast_in_dim3A_83 : vector<512x1xi32> to vector<512x1024xi32>
    %eq3A_85 = arith.cmpi eq, %iota3A, %eq3A_84 : vector<512x1024xi32>
    %jit3A_86 = arith.constant -3.000000e+38 : f32
    %broadcast_in_dim3A_87 = vector.broadcast %jit3A_86 : f32 to vector<512x1024xf32>
    %select_n3A_88 = arith.select %eq3A_85, %broadcast_in_dim3A_87, %select_n3A_72 : vector<512x1024xi1>, vector<512x1024xf32>
    %reduce_max3A_89 = arith.constant dense<0xFF800000> : vector<512xf32>
    %reduce_max3A_90 = vector.multi_reduction <maximumf>, %select_n3A_88, %reduce_max3A_89 [1] : vector<512x1024xf32> to vector<512xf32>
    %broadcast_in_dim3A_91 = vector.shape_cast %reduce_max3A_90 : vector<512xf32> to vector<512x1xf32>
    %eq3A_92 = vector.broadcast %broadcast_in_dim3A_91 : vector<512x1xf32> to vector<512x1024xf32>
    %eq3A_93 = arith.cmpf oeq, %select_n3A_88, %eq3A_92 : vector<512x1024xf32>
    %jit3A_94 = arith.constant 1024 : i32
    %broadcast_in_dim3A_95 = vector.broadcast %jit3A_94 : i32 to vector<512x1024xi32>
    %select_n3A_96 = arith.select %eq3A_93, %iota3A, %broadcast_in_dim3A_95 : vector<512x1024xi1>, vector<512x1024xi32>
    %reduce_min3A_97 = arith.constant dense<2147483647> : vector<512xi32>
    %reduce_min3A_98 = vector.multi_reduction <minsi>, %select_n3A_96, %reduce_min3A_97 [1] : vector<512x1024xi32> to vector<512xi32>
    %broadcast_in_dim3A_99 = vector.shape_cast %reduce_min3A_98 : vector<512xi32> to vector<512x1xi32>
    %eq3A_100 = vector.broadcast %broadcast_in_dim3A_99 : vector<512x1xi32> to vector<512x1024xi32>
    %eq3A_101 = arith.cmpi eq, %iota3A, %eq3A_100 : vector<512x1024xi32>
    %jit3A_102 = arith.constant -3.000000e+38 : f32
    %broadcast_in_dim3A_103 = vector.broadcast %jit3A_102 : f32 to vector<512x1024xf32>
    %select_n3A_104 = arith.select %eq3A_101, %broadcast_in_dim3A_103, %select_n3A_88 : vector<512x1024xi1>, vector<512x1024xf32>
    %reduce_max3A_105 = arith.constant dense<0xFF800000> : vector<512xf32>
    %reduce_max3A_106 = vector.multi_reduction <maximumf>, %select_n3A_104, %reduce_max3A_105 [1] : vector<512x1024xf32> to vector<512xf32>
    %broadcast_in_dim3A_107 = vector.shape_cast %reduce_max3A_106 : vector<512xf32> to vector<512x1xf32>
    %eq3A_108 = vector.broadcast %broadcast_in_dim3A_107 : vector<512x1xf32> to vector<512x1024xf32>
    %eq3A_109 = arith.cmpf oeq, %select_n3A_104, %eq3A_108 : vector<512x1024xf32>
    %jit3A_110 = arith.constant 1024 : i32
    %broadcast_in_dim3A_111 = vector.broadcast %jit3A_110 : i32 to vector<512x1024xi32>
    %select_n3A_112 = arith.select %eq3A_109, %iota3A, %broadcast_in_dim3A_111 : vector<512x1024xi1>, vector<512x1024xi32>
    %reduce_min3A_113 = arith.constant dense<2147483647> : vector<512xi32>
    %reduce_min3A_114 = vector.multi_reduction <minsi>, %select_n3A_112, %reduce_min3A_113 [1] : vector<512x1024xi32> to vector<512xi32>
    %broadcast_in_dim3A_115 = vector.shape_cast %reduce_min3A_114 : vector<512xi32> to vector<512x1xi32>
    %eq3A_116 = vector.broadcast %broadcast_in_dim3A_115 : vector<512x1xi32> to vector<512x1024xi32>
    %eq3A_117 = arith.cmpi eq, %iota3A, %eq3A_116 : vector<512x1024xi32>
    %jit3A_118 = arith.constant -3.000000e+38 : f32
    %broadcast_in_dim3A_119 = vector.broadcast %jit3A_118 : f32 to vector<512x1024xf32>
    %select_n3A_120 = arith.select %eq3A_117, %broadcast_in_dim3A_119, %select_n3A_104 : vector<512x1024xi1>, vector<512x1024xf32>
    %reduce_max3A_121 = arith.constant dense<0xFF800000> : vector<512xf32>
    %reduce_max3A_122 = vector.multi_reduction <maximumf>, %select_n3A_120, %reduce_max3A_121 [1] : vector<512x1024xf32> to vector<512xf32>
    %broadcast_in_dim3A_123 = vector.shape_cast %reduce_max3A_122 : vector<512xf32> to vector<512x1xf32>
    %eq3A_124 = vector.broadcast %broadcast_in_dim3A_123 : vector<512x1xf32> to vector<512x1024xf32>
    %eq3A_125 = arith.cmpf oeq, %select_n3A_120, %eq3A_124 : vector<512x1024xf32>
    %jit3A_126 = arith.constant 1024 : i32
    %broadcast_in_dim3A_127 = vector.broadcast %jit3A_126 : i32 to vector<512x1024xi32>
    %select_n3A_128 = arith.select %eq3A_125, %iota3A, %broadcast_in_dim3A_127 : vector<512x1024xi1>, vector<512x1024xi32>
    %reduce_min3A_129 = arith.constant dense<2147483647> : vector<512xi32>
    %reduce_min3A_130 = vector.multi_reduction <minsi>, %select_n3A_128, %reduce_min3A_129 [1] : vector<512x1024xi32> to vector<512xi32>
    %broadcast_in_dim3A_131 = vector.shape_cast %reduce_min3A_130 : vector<512xi32> to vector<512x1xi32>
    %concatenate3A = tpu.concatenate %broadcast_in_dim3A_19, %broadcast_in_dim3A_35, %broadcast_in_dim3A_51, %broadcast_in_dim3A_67, %broadcast_in_dim3A_83, %broadcast_in_dim3A_99, %broadcast_in_dim3A_115, %broadcast_in_dim3A_131 in 1 : vector<512x1xi32>, vector<512x1xi32>, vector<512x1xi32>, vector<512x1xi32>, vector<512x1xi32>, vector<512x1xi32>, vector<512x1xi32>, vector<512x1xi32> -> vector<512x8xi32>
    %swap3A = arith.constant 0 : index
    %swap3A_132 = arith.constant 0 : index
    %swap3A_133 = vector.load %arg7[%swap3A, %swap3A_132] : memref<512x8xi32, #tpu.memory_space<vmem>>, vector<512x8xi32>
    tpu.vector_store %arg7[%swap3A, %swap3A_132], %concatenate3A {strides = array<i32>} : memref<512x8xi32, #tpu.memory_space<vmem>>, vector<512x8xi32>,
    %convert_element_type3A = arith.truncf %get3A_1 : vector<512x1024xf32> to vector<512x1024xbf16>
    %get3A_134 = arith.constant 0 : index
    %get3A_135 = arith.constant 0 : index
    %get3A_136 = vector.load %arg5[%get3A_134, %get3A_135] : memref<1024x1024xf32, #tpu.memory_space<vmem>>, vector<1024x1024xf32>
    %convert_element_type3A_137 = arith.truncf %get3A_136 : vector<1024x1024xf32> to vector<1024x1024xbf16>
    %dot_general3A_138 = arith.constant dense<0.000000e+00> : vector<512x1024xf32>
    %dot_general3A_139 = tpu.matmul %convert_element_type3A, %convert_element_type3A_137, %dot_general3A_138 {dimension_numbers = #tpu.dot_dimension_numbers<[1], [1], [0], [0], [0, 0, 1, 0], [], []>, transpose_lhs_hint = false} : vector<512x1024xbf16>, vector<1024x1024xbf16>, vector<512x1024xf32> -> vector<512x1024xf32>
    %get3A_140 = arith.constant 0 : index
    %get3A_141 = arith.constant 0 : index
    %get3A_142 = vector.load %arg6[%get3A_140, %get3A_141] : memref<1x1024xf32, #tpu.memory_space<vmem>>, vector<1x1024xf32>
    %add3A_143 = vector.broadcast %get3A_142 : vector<1x1024xf32> to vector<512x1024xf32>
    %add3A_144 = arith.addf %dot_general3A_139, %add3A_143 : vector<512x1024xf32>
    %swap3A_145 = arith.constant 0 : index
    %swap3A_146 = arith.constant 0 : index
    %swap3A_147 = vector.load %arg8[%swap3A_145, %swap3A_146] : memref<512x1024xf32, #tpu.memory_space<vmem>>, vector<512x1024xf32>
    tpu.vector_store %arg8[%swap3A_145, %swap3A_146], %add3A_144 {strides = array<i32>} : memref<512x1024xf32, #tpu.memory_space<vmem>>, vector<512x1024xf32>,
    return
  }
  func.func @transform_0(%arg0: i32) -> (i32, i32) {
    %c0_i32 = arith.constant 0 : i32
    %c0_i32_0 = arith.constant 0 : i32
    return %arg0, %c0_i32 : i32, i32
  }
  func.func @transform_1(%arg0: i32) -> (i32, i32) {
    %c0_i32 = arith.constant 0 : i32
    %c0_i32_0 = arith.constant 0 : i32
    %c0_i32_1 = arith.constant 0 : i32
    return %c0_i32, %c0_i32_0 : i32, i32
  }
  func.func @transform_2(%arg0: i32) -> (i32, i32) {
    %c0_i32 = arith.constant 0 : i32
    %c0_i32_0 = arith.constant 0 : i32
    %c0_i32_1 = arith.constant 0 : i32
    return %c0_i32, %c0_i32_0 : i32, i32
  }
  func.func @transform_3(%arg0: i32) -> (i32, i32) {
    %c0_i32 = arith.constant 0 : i32
    %c0_i32_0 = arith.constant 0 : i32
    %c0_i32_1 = arith.constant 0 : i32
    return %c0_i32, %c0_i32_0 : i32, i32
  }
  func.func @transform_4(%arg0: i32) -> (i32, i32) {
    %c0_i32 = arith.constant 0 : i32
    %c0_i32_0 = arith.constant 0 : i32
    %c0_i32_1 = arith.constant 0 : i32
    return %c0_i32, %c0_i32_0 : i32, i32
  }
  func.func @transform_5(%arg0: i32) -> (i32, i32) {
    %c0_i32 = arith.constant 0 : i32
    %c0_i32_0 = arith.constant 0 : i32
    %c0_i32_1 = arith.constant 0 : i32
    return %c0_i32, %c0_i32_0 : i32, i32
  }
  func.func @transform_6(%arg0: i32) -> (i32, i32) {
    %c0_i32 = arith.constant 0 : i32
    %c0_i32_0 = arith.constant 0 : i32
    return %arg0, %c0_i32 : i32, i32
  }
  func.func @transform_7(%arg0: i32) -> (i32, i32) {
    %c0_i32 = arith.constant 0 : i32
    %c0_i32_0 = arith.constant 0 : i32
    return %arg0, %c0_i32 : i32, i32
  }
}

module attributes {stable_mosaic.version = 14 : i64} {
  func.func @_attn_body(%arg0: i32, %arg1: memref<256x1024xf32, #tpu.memory_space<vmem>>, %arg2: memref<2048x1024xi32, #tpu.memory_space<vmem>>, %arg3: memref<1024x1024xf32, #tpu.memory_space<vmem>>, %arg4: memref<1x1024xf32, #tpu.memory_space<vmem>>, %arg5: memref<256x1024xf32, #tpu.memory_space<vmem>>, %arg6: memref<2048x16xf32, #tpu.memory_space<vmem>>) attributes {dimension_semantics = [#tpu.dimension_semantics<arbitrary>], iteration_bounds = array<i64: 8>, scalar_prefetch = 0 : i64, scratch_operands = 0 : i64, tpu.core_type = #tpu.core_type<tc>, window_params = [{transform_indices = @transform_0, window_bounds = array<i64: 256, 1024>}, {transform_indices = @transform_1, window_bounds = array<i64: 2048, 1024>}, {pipeline_mode = #tpu.pipeline_mode<synchronous>, transform_indices = @transform_2, window_bounds = array<i64: 1024, 1024>}, {pipeline_mode = #tpu.pipeline_mode<synchronous>, transform_indices = @transform_3, window_bounds = array<i64: 1, 1024>}, {transform_indices = @transform_4, window_bounds = array<i64: 256, 1024>}, {transform_indices = @transform_5, window_bounds = array<i64: 2048, 16>}]} {
    %get3A = arith.constant 0 : index
    %get3A_0 = arith.constant 0 : index
    %get3A_1 = vector.load %arg1[%get3A, %get3A_0] : memref<256x1024xf32, #tpu.memory_space<vmem>>, vector<256x1024xf32>
    %get3A_2 = arith.constant 0 : index
    %get3A_3 = arith.constant 0 : index
    %get3A_4 = vector.load %arg2[%get3A_2, %get3A_3] : memref<2048x1024xi32, #tpu.memory_space<vmem>>, vector<2048x1024xi32>
    %slice3A = vector.extract_strided_slice %get3A_4 {offsets = [0, 0], sizes = [2048, 512], strides = [1, 1]} : vector<2048x1024xi32> to vector<2048x512xi32>
    %bitcast_convert_type3A = tpu.bitcast %slice3A : vector<2048x512xi32> -> vector<2048x512xi32>
    %and3A = arith.constant 65535 : i32
    %and3A_5 = vector.broadcast %and3A : i32 to vector<2048x512xi32>
    %and3A_6 = arith.andi %bitcast_convert_type3A, %and3A_5 : vector<2048x512xi32>
    %convert_element_type3A = arith.trunci %and3A_6 : vector<2048x512xi32> to vector<2048x512xi16>
    %bitcast_convert_type3A_7 = tpu.bitcast %convert_element_type3A : vector<2048x512xi16> -> vector<2048x512xbf16>
    %shift_right_logical3A = arith.constant 16 : i32
    %shift_right_logical3A_8 = vector.broadcast %shift_right_logical3A : i32 to vector<2048x512xi32>
    %shift_right_logical3A_9 = arith.shrui %bitcast_convert_type3A, %shift_right_logical3A_8 : vector<2048x512xi32>
    %convert_element_type3A_10 = arith.trunci %shift_right_logical3A_9 : vector<2048x512xi32> to vector<2048x512xi16>
    %bitcast_convert_type3A_11 = tpu.bitcast %convert_element_type3A_10 : vector<2048x512xi16> -> vector<2048x512xbf16>
    %concatenate3A = tpu.concatenate %bitcast_convert_type3A_7, %bitcast_convert_type3A_11 in 1 : vector<2048x512xbf16>, vector<2048x512xbf16> -> vector<2048x1024xbf16>
    %convert_element_type3A_12 = arith.extf %concatenate3A : vector<2048x1024xbf16> to vector<2048x1024xf32>
    %slice3A_13 = vector.extract_strided_slice %get3A_4 {offsets = [0, 512], sizes = [2048, 512], strides = [1, 1]} : vector<2048x1024xi32> to vector<2048x512xi32>
    %bitcast_convert_type3A_14 = tpu.bitcast %slice3A_13 : vector<2048x512xi32> -> vector<2048x512xi32>
    %and3A_15 = arith.constant 65535 : i32
    %and3A_16 = vector.broadcast %and3A_15 : i32 to vector<2048x512xi32>
    %and3A_17 = arith.andi %bitcast_convert_type3A_14, %and3A_16 : vector<2048x512xi32>
    %convert_element_type3A_18 = arith.trunci %and3A_17 : vector<2048x512xi32> to vector<2048x512xi16>
    %bitcast_convert_type3A_19 = tpu.bitcast %convert_element_type3A_18 : vector<2048x512xi16> -> vector<2048x512xbf16>
    %shift_right_logical3A_20 = arith.constant 16 : i32
    %shift_right_logical3A_21 = vector.broadcast %shift_right_logical3A_20 : i32 to vector<2048x512xi32>
    %shift_right_logical3A_22 = arith.shrui %bitcast_convert_type3A_14, %shift_right_logical3A_21 : vector<2048x512xi32>
    %convert_element_type3A_23 = arith.trunci %shift_right_logical3A_22 : vector<2048x512xi32> to vector<2048x512xi16>
    %bitcast_convert_type3A_24 = tpu.bitcast %convert_element_type3A_23 : vector<2048x512xi16> -> vector<2048x512xbf16>
    %concatenate3A_25 = tpu.concatenate %bitcast_convert_type3A_19, %bitcast_convert_type3A_24 in 1 : vector<2048x512xbf16>, vector<2048x512xbf16> -> vector<2048x1024xbf16>
    %convert_element_type3A_26 = arith.extf %concatenate3A_25 : vector<2048x1024xbf16> to vector<2048x1024xf32>
    %iota3A = tpu.iota {dimensions = array<i32: 0>} : vector<1024x16xi32>
    %iota3A_27 = tpu.iota {dimensions = array<i32: 1>} : vector<1024x16xi32>
    %jit3A = arith.constant 64 : i32
    %div3A = vector.broadcast %jit3A : i32 to vector<1024x16xi32>
    %div3A_28 = arith.divsi %iota3A, %div3A : vector<1024x16xi32>
    %sign3A = arith.constant 0 : i32
    %sign3A_29 = vector.broadcast %sign3A : i32 to vector<1024x16xi32>
    %sign3A_30 = arith.cmpi sgt, %iota3A, %sign3A_29 : vector<1024x16xi32>
    %sign3A_31 = arith.extui %sign3A_30 : vector<1024x16xi1> to vector<1024x16xi32>
    %sign3A_32 = arith.constant 0 : i32
    %sign3A_33 = vector.broadcast %sign3A_32 : i32 to vector<1024x16xi32>
    %sign3A_34 = arith.cmpi slt, %iota3A, %sign3A_33 : vector<1024x16xi32>
    %sign3A_35 = arith.extui %sign3A_34 : vector<1024x16xi1> to vector<1024x16xi32>
    %sign3A_36 = arith.subi %sign3A_31, %sign3A_35 : vector<1024x16xi32>
    %sign3A_37 = arith.constant 0 : i32
    %sign3A_38 = arith.cmpi sgt, %jit3A, %sign3A_37 : i32
    %sign3A_39 = arith.extui %sign3A_38 : i1 to i32
    %sign3A_40 = arith.constant 0 : i32
    %sign3A_41 = arith.cmpi slt, %jit3A, %sign3A_40 : i32
    %sign3A_42 = arith.extui %sign3A_41 : i1 to i32
    %sign3A_43 = arith.subi %sign3A_39, %sign3A_42 : i32
    %ne3A = vector.broadcast %sign3A_43 : i32 to vector<1024x16xi32>
    %ne3A_44 = arith.cmpi ne, %sign3A_36, %ne3A : vector<1024x16xi32>
    %rem3A = vector.broadcast %jit3A : i32 to vector<1024x16xi32>
    %rem3A_45 = arith.remsi %iota3A, %rem3A : vector<1024x16xi32>
    %ne3A_46 = arith.constant 0 : i32
    %ne3A_47 = vector.broadcast %ne3A_46 : i32 to vector<1024x16xi32>
    %ne3A_48 = arith.cmpi ne, %rem3A_45, %ne3A_47 : vector<1024x16xi32>
    %and3A_49 = arith.andi %ne3A_44, %ne3A_48 : vector<1024x16xi1>
    %sub3A = arith.constant 1 : i32
    %sub3A_50 = vector.broadcast %sub3A : i32 to vector<1024x16xi32>
    %sub3A_51 = arith.subi %div3A_28, %sub3A_50 : vector<1024x16xi32>
    %select_n3A = arith.select %and3A_49, %sub3A_51, %div3A_28 : vector<1024x16xi1>, vector<1024x16xi32>
    %eq3A = arith.cmpi eq, %select_n3A, %iota3A_27 : vector<1024x16xi32>
    %convert_element_type3A_52 = arith.extui %eq3A : vector<1024x16xi1> to vector<1024x16xi32>
    %convert_element_type3A_53 = arith.sitofp %convert_element_type3A_52 : vector<1024x16xi32> to vector<1024x16xf32>
    %iota3A_54 = tpu.iota {dimensions = array<i32: 0>} : vector<16x1024xi32>
    %iota3A_55 = tpu.iota {dimensions = array<i32: 1>} : vector<16x1024xi32>
    %jit3A_56 = arith.constant 64 : i32
    %div3A_57 = vector.broadcast %jit3A_56 : i32 to vector<16x1024xi32>
    %div3A_58 = arith.divsi %iota3A_55, %div3A_57 : vector<16x1024xi32>
    %sign3A_59 = arith.constant 0 : i32
    %sign3A_60 = vector.broadcast %sign3A_59 : i32 to vector<16x1024xi32>
    %sign3A_61 = arith.cmpi sgt, %iota3A_55, %sign3A_60 : vector<16x1024xi32>
    %sign3A_62 = arith.extui %sign3A_61 : vector<16x1024xi1> to vector<16x1024xi32>
    %sign3A_63 = arith.constant 0 : i32
    %sign3A_64 = vector.broadcast %sign3A_63 : i32 to vector<16x1024xi32>
    %sign3A_65 = arith.cmpi slt, %iota3A_55, %sign3A_64 : vector<16x1024xi32>
    %sign3A_66 = arith.extui %sign3A_65 : vector<16x1024xi1> to vector<16x1024xi32>
    %sign3A_67 = arith.subi %sign3A_62, %sign3A_66 : vector<16x1024xi32>
    %sign3A_68 = arith.constant 0 : i32
    %sign3A_69 = arith.cmpi sgt, %jit3A_56, %sign3A_68 : i32
    %sign3A_70 = arith.extui %sign3A_69 : i1 to i32
    %sign3A_71 = arith.constant 0 : i32
    %sign3A_72 = arith.cmpi slt, %jit3A_56, %sign3A_71 : i32
    %sign3A_73 = arith.extui %sign3A_72 : i1 to i32
    %sign3A_74 = arith.subi %sign3A_70, %sign3A_73 : i32
    %ne3A_75 = vector.broadcast %sign3A_74 : i32 to vector<16x1024xi32>
    %ne3A_76 = arith.cmpi ne, %sign3A_67, %ne3A_75 : vector<16x1024xi32>
    %rem3A_77 = vector.broadcast %jit3A_56 : i32 to vector<16x1024xi32>
    %rem3A_78 = arith.remsi %iota3A_55, %rem3A_77 : vector<16x1024xi32>
    %ne3A_79 = arith.constant 0 : i32
    %ne3A_80 = vector.broadcast %ne3A_79 : i32 to vector<16x1024xi32>
    %ne3A_81 = arith.cmpi ne, %rem3A_78, %ne3A_80 : vector<16x1024xi32>
    %and3A_82 = arith.andi %ne3A_76, %ne3A_81 : vector<16x1024xi1>
    %sub3A_83 = arith.constant 1 : i32
    %sub3A_84 = vector.broadcast %sub3A_83 : i32 to vector<16x1024xi32>
    %sub3A_85 = arith.subi %div3A_58, %sub3A_84 : vector<16x1024xi32>
    %select_n3A_86 = arith.select %and3A_82, %sub3A_85, %div3A_58 : vector<16x1024xi1>, vector<16x1024xi32>
    %eq3A_87 = arith.cmpi eq, %select_n3A_86, %iota3A_54 : vector<16x1024xi32>
    %convert_element_type3A_88 = arith.extui %eq3A_87 : vector<16x1024xi1> to vector<16x1024xi32>
    %convert_element_type3A_89 = arith.sitofp %convert_element_type3A_88 : vector<16x1024xi32> to vector<16x1024xf32>
    %iota3A_90 = tpu.iota {dimensions = array<i32: 0>} : vector<2048x256xi32>
    %iota3A_91 = tpu.iota {dimensions = array<i32: 1>} : vector<2048x256xi32>
    %jit3A_92 = arith.constant 8 : i32
    %div3A_93 = vector.broadcast %jit3A_92 : i32 to vector<2048x256xi32>
    %div3A_94 = arith.divsi %iota3A_90, %div3A_93 : vector<2048x256xi32>
    %sign3A_95 = arith.constant 0 : i32
    %sign3A_96 = vector.broadcast %sign3A_95 : i32 to vector<2048x256xi32>
    %sign3A_97 = arith.cmpi sgt, %iota3A_90, %sign3A_96 : vector<2048x256xi32>
    %sign3A_98 = arith.extui %sign3A_97 : vector<2048x256xi1> to vector<2048x256xi32>
    %sign3A_99 = arith.constant 0 : i32
    %sign3A_100 = vector.broadcast %sign3A_99 : i32 to vector<2048x256xi32>
    %sign3A_101 = arith.cmpi slt, %iota3A_90, %sign3A_100 : vector<2048x256xi32>
    %sign3A_102 = arith.extui %sign3A_101 : vector<2048x256xi1> to vector<2048x256xi32>
    %sign3A_103 = arith.subi %sign3A_98, %sign3A_102 : vector<2048x256xi32>
    %sign3A_104 = arith.constant 0 : i32
    %sign3A_105 = arith.cmpi sgt, %jit3A_92, %sign3A_104 : i32
    %sign3A_106 = arith.extui %sign3A_105 : i1 to i32
    %sign3A_107 = arith.constant 0 : i32
    %sign3A_108 = arith.cmpi slt, %jit3A_92, %sign3A_107 : i32
    %sign3A_109 = arith.extui %sign3A_108 : i1 to i32
    %sign3A_110 = arith.subi %sign3A_106, %sign3A_109 : i32
    %ne3A_111 = vector.broadcast %sign3A_110 : i32 to vector<2048x256xi32>
    %ne3A_112 = arith.cmpi ne, %sign3A_103, %ne3A_111 : vector<2048x256xi32>
    %rem3A_113 = vector.broadcast %jit3A_92 : i32 to vector<2048x256xi32>
    %rem3A_114 = arith.remsi %iota3A_90, %rem3A_113 : vector<2048x256xi32>
    %ne3A_115 = arith.constant 0 : i32
    %ne3A_116 = vector.broadcast %ne3A_115 : i32 to vector<2048x256xi32>
    %ne3A_117 = arith.cmpi ne, %rem3A_114, %ne3A_116 : vector<2048x256xi32>
    %and3A_118 = arith.andi %ne3A_112, %ne3A_117 : vector<2048x256xi1>
    %sub3A_119 = arith.constant 1 : i32
    %sub3A_120 = vector.broadcast %sub3A_119 : i32 to vector<2048x256xi32>
    %sub3A_121 = arith.subi %div3A_94, %sub3A_120 : vector<2048x256xi32>
    %select_n3A_122 = arith.select %and3A_118, %sub3A_121, %div3A_94 : vector<2048x256xi1>, vector<2048x256xi32>
    %eq3A_123 = arith.cmpi eq, %select_n3A_122, %iota3A_91 : vector<2048x256xi32>
    %convert_element_type3A_124 = arith.extui %eq3A_123 : vector<2048x256xi1> to vector<2048x256xi32>
    %convert_element_type3A_125 = arith.sitofp %convert_element_type3A_124 : vector<2048x256xi32> to vector<2048x256xf32>
    %convert_element_type3A_126 = arith.truncf %convert_element_type3A_125 : vector<2048x256xf32> to vector<2048x256xbf16>
    %iota3A_127 = tpu.iota {dimensions = array<i32: 0>} : vector<256x2048xi32>
    %iota3A_128 = tpu.iota {dimensions = array<i32: 1>} : vector<256x2048xi32>
    %jit3A_129 = arith.constant 8 : i32
    %div3A_130 = vector.broadcast %jit3A_129 : i32 to vector<256x2048xi32>
    %div3A_131 = arith.divsi %iota3A_128, %div3A_130 : vector<256x2048xi32>
    %sign3A_132 = arith.constant 0 : i32
    %sign3A_133 = vector.broadcast %sign3A_132 : i32 to vector<256x2048xi32>
    %sign3A_134 = arith.cmpi sgt, %iota3A_128, %sign3A_133 : vector<256x2048xi32>
    %sign3A_135 = arith.extui %sign3A_134 : vector<256x2048xi1> to vector<256x2048xi32>
    %sign3A_136 = arith.constant 0 : i32
    %sign3A_137 = vector.broadcast %sign3A_136 : i32 to vector<256x2048xi32>
    %sign3A_138 = arith.cmpi slt, %iota3A_128, %sign3A_137 : vector<256x2048xi32>
    %sign3A_139 = arith.extui %sign3A_138 : vector<256x2048xi1> to vector<256x2048xi32>
    %sign3A_140 = arith.subi %sign3A_135, %sign3A_139 : vector<256x2048xi32>
    %sign3A_141 = arith.constant 0 : i32
    %sign3A_142 = arith.cmpi sgt, %jit3A_129, %sign3A_141 : i32
    %sign3A_143 = arith.extui %sign3A_142 : i1 to i32
    %sign3A_144 = arith.constant 0 : i32
    %sign3A_145 = arith.cmpi slt, %jit3A_129, %sign3A_144 : i32
    %sign3A_146 = arith.extui %sign3A_145 : i1 to i32
    %sign3A_147 = arith.subi %sign3A_143, %sign3A_146 : i32
    %ne3A_148 = vector.broadcast %sign3A_147 : i32 to vector<256x2048xi32>
    %ne3A_149 = arith.cmpi ne, %sign3A_140, %ne3A_148 : vector<256x2048xi32>
    %rem3A_150 = vector.broadcast %jit3A_129 : i32 to vector<256x2048xi32>
    %rem3A_151 = arith.remsi %iota3A_128, %rem3A_150 : vector<256x2048xi32>
    %ne3A_152 = arith.constant 0 : i32
    %ne3A_153 = vector.broadcast %ne3A_152 : i32 to vector<256x2048xi32>
    %ne3A_154 = arith.cmpi ne, %rem3A_151, %ne3A_153 : vector<256x2048xi32>
    %and3A_155 = arith.andi %ne3A_149, %ne3A_154 : vector<256x2048xi1>
    %sub3A_156 = arith.constant 1 : i32
    %sub3A_157 = vector.broadcast %sub3A_156 : i32 to vector<256x2048xi32>
    %sub3A_158 = arith.subi %div3A_131, %sub3A_157 : vector<256x2048xi32>
    %select_n3A_159 = arith.select %and3A_155, %sub3A_158, %div3A_131 : vector<256x2048xi1>, vector<256x2048xi32>
    %eq3A_160 = arith.cmpi eq, %select_n3A_159, %iota3A_127 : vector<256x2048xi32>
    %convert_element_type3A_161 = arith.extui %eq3A_160 : vector<256x2048xi1> to vector<256x2048xi32>
    %convert_element_type3A_162 = arith.sitofp %convert_element_type3A_161 : vector<256x2048xi32> to vector<256x2048xf32>
    %convert_element_type3A_163 = arith.truncf %get3A_1 : vector<256x1024xf32> to vector<256x1024xbf16>
    %dot_general3A = arith.constant dense<0.000000e+00> : vector<2048x1024xf32>
    %dot_general3A_164 = tpu.matmul %convert_element_type3A_126, %convert_element_type3A_163, %dot_general3A {dimension_numbers = #tpu.dot_dimension_numbers<[1], [0], [0], [1], [0, 0, 1, 1], [], []>, transpose_lhs_hint = false} : vector<2048x256xbf16>, vector<256x1024xbf16>, vector<2048x1024xf32> -> vector<2048x1024xf32>
    %mul3A = arith.mulf %dot_general3A_164, %convert_element_type3A_12 : vector<2048x1024xf32>
    %dot_general3A_165 = arith.constant dense<0.000000e+00> : vector<2048x16xf32>
    %dot_general3A_166 = tpu.matmul %mul3A, %convert_element_type3A_53, %dot_general3A_165 {dimension_numbers = #tpu.dot_dimension_numbers<[1], [0], [0], [1], [0, 0, 1, 1], [], []>, transpose_lhs_hint = false} : vector<2048x1024xf32>, vector<1024x16xf32>, vector<2048x16xf32> -> vector<2048x16xf32>
    %mul3A_167 = arith.constant 1.250000e-01 : f32
    %mul3A_168 = vector.broadcast %mul3A_167 : f32 to vector<2048x16xf32>
    %mul3A_169 = arith.mulf %dot_general3A_166, %mul3A_168 : vector<2048x16xf32>
    %exp3A = math.exp %mul3A_169 : vector<2048x16xf32>
    %dot_general3A_170 = arith.constant dense<0.000000e+00> : vector<256x16xf32>
    %dot_general3A_171 = tpu.matmul %convert_element_type3A_162, %exp3A, %dot_general3A_170 {dimension_numbers = #tpu.dot_dimension_numbers<[1], [0], [0], [1], [0, 0, 1, 1], [], []>, transpose_lhs_hint = false} : vector<256x2048xf32>, vector<2048x16xf32>, vector<256x16xf32> -> vector<256x16xf32>
    %convert_element_type3A_172 = arith.extf %convert_element_type3A_126 : vector<2048x256xbf16> to vector<2048x256xf32>
    %dot_general3A_173 = arith.constant dense<0.000000e+00> : vector<2048x16xf32>
    %dot_general3A_174 = tpu.matmul %convert_element_type3A_172, %dot_general3A_171, %dot_general3A_173 {dimension_numbers = #tpu.dot_dimension_numbers<[1], [0], [0], [1], [0, 0, 1, 1], [], []>, transpose_lhs_hint = false} : vector<2048x256xf32>, vector<256x16xf32>, vector<2048x16xf32> -> vector<2048x16xf32>
    %div3A_175 = arith.divf %exp3A, %dot_general3A_174 : vector<2048x16xf32>
    %swap3A = arith.constant 0 : index
    %swap3A_176 = arith.constant 0 : index
    %swap3A_177 = vector.load %arg6[%swap3A, %swap3A_176] : memref<2048x16xf32, #tpu.memory_space<vmem>>, vector<2048x16xf32>
    tpu.vector_store %arg6[%swap3A, %swap3A_176], %div3A_175 {strides = array<i32>} : memref<2048x16xf32, #tpu.memory_space<vmem>>, vector<2048x16xf32>,
    %dot_general3A_178 = arith.constant dense<0.000000e+00> : vector<2048x1024xf32>
    %dot_general3A_179 = tpu.matmul %div3A_175, %convert_element_type3A_89, %dot_general3A_178 {dimension_numbers = #tpu.dot_dimension_numbers<[1], [0], [0], [1], [0, 0, 1, 1], [], []>, transpose_lhs_hint = false} : vector<2048x16xf32>, vector<16x1024xf32>, vector<2048x1024xf32> -> vector<2048x1024xf32>
    %mul3A_180 = arith.mulf %dot_general3A_179, %convert_element_type3A_26 : vector<2048x1024xf32>
    %convert_element_type3A_181 = arith.truncf %mul3A_180 : vector<2048x1024xf32> to vector<2048x1024xbf16>
    %convert_element_type3A_182 = arith.truncf %convert_element_type3A_162 : vector<256x2048xf32> to vector<256x2048xbf16>
    %dot_general3A_183 = arith.constant dense<0.000000e+00> : vector<256x1024xf32>
    %dot_general3A_184 = tpu.matmul %convert_element_type3A_182, %convert_element_type3A_181, %dot_general3A_183 {dimension_numbers = #tpu.dot_dimension_numbers<[1], [0], [0], [1], [0, 0, 1, 1], [], []>, transpose_lhs_hint = false} : vector<256x2048xbf16>, vector<2048x1024xbf16>, vector<256x1024xf32> -> vector<256x1024xf32>
    %convert_element_type3A_185 = arith.truncf %dot_general3A_184 : vector<256x1024xf32> to vector<256x1024xbf16>
    %get3A_186 = arith.constant 0 : index
    %get3A_187 = arith.constant 0 : index
    %get3A_188 = vector.load %arg3[%get3A_186, %get3A_187] : memref<1024x1024xf32, #tpu.memory_space<vmem>>, vector<1024x1024xf32>
    %convert_element_type3A_189 = arith.truncf %get3A_188 : vector<1024x1024xf32> to vector<1024x1024xbf16>
    %dot_general3A_190 = arith.constant dense<0.000000e+00> : vector<256x1024xf32>
    %dot_general3A_191 = tpu.matmul %convert_element_type3A_185, %convert_element_type3A_189, %dot_general3A_190 {dimension_numbers = #tpu.dot_dimension_numbers<[1], [1], [0], [0], [0, 0, 1, 0], [], []>, transpose_lhs_hint = false} : vector<256x1024xbf16>, vector<1024x1024xbf16>, vector<256x1024xf32> -> vector<256x1024xf32>
    %get3A_192 = arith.constant 0 : index
    %get3A_193 = arith.constant 0 : index
    %get3A_194 = vector.load %arg4[%get3A_192, %get3A_193] : memref<1x1024xf32, #tpu.memory_space<vmem>>, vector<1x1024xf32>
    %add3A = vector.broadcast %get3A_194 : vector<1x1024xf32> to vector<256x1024xf32>
    %add3A_195 = arith.addf %dot_general3A_191, %add3A : vector<256x1024xf32>
    %swap3A_196 = arith.constant 0 : index
    %swap3A_197 = arith.constant 0 : index
    %swap3A_198 = vector.load %arg5[%swap3A_196, %swap3A_197] : memref<256x1024xf32, #tpu.memory_space<vmem>>, vector<256x1024xf32>
    tpu.vector_store %arg5[%swap3A_196, %swap3A_197], %add3A_195 {strides = array<i32>} : memref<256x1024xf32, #tpu.memory_space<vmem>>, vector<256x1024xf32>,
    return
  }
  func.func @transform_0(%arg0: i32) -> (i32, i32) {
    %c0_i32 = arith.constant 0 : i32
    %c0_i32_0 = arith.constant 0 : i32
    return %arg0, %c0_i32 : i32, i32
  }
  func.func @transform_1(%arg0: i32) -> (i32, i32) {
    %add3A = arith.constant 0 : i32
    %add3A_0 = arith.addi %add3A, %arg0 : i32
    %c0_i32 = arith.constant 0 : i32
    %c0_i32_1 = arith.constant 0 : i32
    return %add3A_0, %c0_i32 : i32, i32
  }
  func.func @transform_2(%arg0: i32) -> (i32, i32) {
    %c0_i32 = arith.constant 0 : i32
    %c0_i32_0 = arith.constant 0 : i32
    %c0_i32_1 = arith.constant 0 : i32
    return %c0_i32, %c0_i32_0 : i32, i32
  }
  func.func @transform_3(%arg0: i32) -> (i32, i32) {
    %c0_i32 = arith.constant 0 : i32
    %c0_i32_0 = arith.constant 0 : i32
    %c0_i32_1 = arith.constant 0 : i32
    return %c0_i32, %c0_i32_0 : i32, i32
  }
  func.func @transform_4(%arg0: i32) -> (i32, i32) {
    %c0_i32 = arith.constant 0 : i32
    %c0_i32_0 = arith.constant 0 : i32
    return %arg0, %c0_i32 : i32, i32
  }
  func.func @transform_5(%arg0: i32) -> (i32, i32) {
    %c0_i32 = arith.constant 0 : i32
    %c0_i32_0 = arith.constant 0 : i32
    return %arg0, %c0_i32 : i32, i32
  }
}

</mosaic_0001>

<sc_bundles>
// kernel: kernel.12.cloned.1.call-start
scs
__scs_entry_jumppad:
0x0: {  	(pc) =	sbr.rel $0x88, $3  }
0x1: {  	(tag) =	ssettag $0x0;
	lr =	simm.s32 $0x1  }
0x2: {  	[smem:$0x3F95] =	sst lr;
	_ =	strace $0xD0000000  }
0x3: {  	_ = 	snop  }
0x4: {  	_ = 	snop  }
0x5: {  	_ = 	snop  }
0x6: {  	_ = 	snop  }
0x7: {  	_ = 	snop  }
__scs_overlays_trampoline_lowered:
0x8: {  	[smem:$0x3FA4] =	sst s0  }
0x9: {  	[smem:$0x3FA5] =	sst s1  }
0xa: {  	[smem:$0x3FA6] =	sst s2  }
0xb: {  	[smem:$0x3FA7] =	sst s3  }
0xc: {  	[smem:$0x3FA8] =	sst s4  }
0xd: {  	[smem:$0x3FA9] =	sst s5  }
0xe: {  	[smem:$0x3FAA] =	sst s6  }
0xf: {  	[smem:$0x3FAB] =	sst s7  }
0x10: {  	[smem:$0x3FAC] =	sst s8  }
0x11: {  	[smem:$0x3FAD] =	sst s9;
	s0 =	simm.s32 @!p0 $0x0  }
0x12: {  	s1 =	sld [smem:$0x3F93];
	s0 =	simm.s32 @p0 $0x1  }
0x13: {  	[smem:$0x3FAE] =	sst s0;
	s0 =	simm.s32 @!p1 $0x0  }
0x14: {  	s2 =	sld [smem:$0x3F92];
	s0 =	simm.s32 @p1 $0x1  }
0x15: {  	[smem:$0x3FAF] =	sst s0;
	s0 =	simm.s32 @!p2 $0x0  }
0x16: {  	s3 =	sld [smem:$0x3FDB];
	s0 =	simm.s32 @p2 $0x1  }
0x17: {  	s4 =	simm.s32 $0x1BF5;
	[smem:$0x3FB1] =	sst s0  }
0x18: {  	s0 =	sld [smem:$0x3F94];
	_ =	swait.ge [sflag:s4], $0x0  }
0x19: {  	s7 =	sld [smem:$0x3F95]  }
0x1a: {  	s8 =	sadd.s32 $0xFFFFE003, lr  }
0x1b: {  	s9 =	sadd.s32 $0xFFFFFEF7, lr;
	s5 =	simm.s32 $0xFFFFFFFF;
	p2 =	slt.u32 s8, $0xFFFFF086  }
0x1c: {  	p1 =	slt.u32 s9, $0xF7A;
	s5 =	simm.s32 @!p2 $0x0  }
0x1d: {  	s5 =	simm.s32 @p1 $0x1;
	p0 =	seq.s32 s7, s2  }
0x1e: {  	s7 =	smul.u32 @!p0 $0xF7A, s2;
	p2 =	seq.s32 @!p0 s5, $0x0  }
0x1f: {  	s9 =	smul.u32 $0xF7A, s1;
	s8 =	simm.s32 @!p0 $0x1BF5;
	p2 =	por !p2, p0  }
0x20: {  	[sflag:s8] =	ssyncset.s32 @!p0 $0xFFFFF086;
	s6 =	sadd.s32 @!p0 s3, s7;
	s7 =	simm.s32 @!p0 $0x108  }
0x21: {  	s3 =	sadd.s32 s3, s9;
	s6 =	sadd.s32 @!p0 $0x88, s6;
	s7 =	simm.s32 @p2 $0x1082  }
0x22: {  	[simem:s7], [sflag:s8] =	dma.local @!p0 [hbm:s6], $0xF7A  }
0x23: {  	s9 =	sor.u32 $0xD0000000, s2;
	s6 =	simm.s32 $0x108;
	_ =	swait.ge @!p0 [sflag:s8], $0x0  }
0x24: {  	s3 =	sadd.s32 $0x88, s3;
	s6 =	simm.s32 @!p1 $0x1082;
	[sflag:s4] =	ssyncset.s32 $0xFFFFF086  }
0x25: {  	[simem:s6], [sflag:s4] =	dma.local [hbm:s3], $0xF7A  }
0x26: {  	[smem:$0x3F95] =	sst s1;
	(tag) =	ssettag s2;
	_ =	strace s9  }
0x27: {  	s1 =	sld [smem:$0x3FA5]  }
0x28: {  	s2 =	sld [smem:$0x3FA6]  }
0x29: {  	s4 =	sld [smem:$0x3FA8]  }
0x2a: {  	p0 =	seq.s32 s5, $0x0;
	s5 =	sld [smem:$0x3FA9]  }
0x2b: {  	s6 =	sld [smem:$0x3FAA]  }
0x2c: {  	s7 =	sld [smem:$0x3FAB]  }
0x2d: {  	s3 =	simm.s32 $0x108;
	s8 =	sld [smem:$0x3FAC]  }
0x2e: {  	s3 =	simm.s32 @!p0 $0x1082;
	s9 =	sld [smem:$0x3FAD]  }
0x2f: {  	lr =	sadd.s32 s0, s3;
	s0 =	sld [smem:$0x3FA4]  }
0x30: {  	s3 =	sld [smem:$0x3FA7]  }
0x31: {  	[smem:$0x3FB0] =	sst s10  }
0x32: {  	s10 =	sld [smem:$0x3FAE];
	_ =	sdelay $0x3  }
0x33: {  	p0 =	seq.s32 s10, $0x1;
	s10 =	sld [smem:$0x3FB0];
	_ =	sdelay $0x3  }
0x34: {  	[smem:$0x3FB0] =	sst s10  }
0x35: {  	s10 =	sld [smem:$0x3FAF];
	_ =	sdelay $0x3  }
0x36: {  	p1 =	seq.s32 s10, $0x1;
	s10 =	sld [smem:$0x3FB0];
	_ =	sdelay $0x3  }
0x37: {  	[smem:$0x3FB0] =	sst s10  }
0x38: {  	s10 =	sld [smem:$0x3FB1]  }
0x39: {  	_ = 	snop;
	(pc) =	sbr.ind lr, $3  }
0x3a: {  	_ = 	snop  }
0x3b: {  	_ = 	snop  }
0x3c: {  	p2 =	seq.s32 s10, $0x1;
	s10 =	sld [smem:$0x3FB0]  }
0x3d: {  	_ =	shalt  }
0x3e: {  	_ =	shalt  }
0x3f: {  	_ =	shalt  }
0x40: {  	_ =	shalt  }
0x41: {  	_ =	shalt  }
0x42: {  	_ =	shalt  }
0x43: {  	_ =	shalt  }
0x44: {  	_ =	shalt  }
0x45: {  	_ =	shalt  }
0x46: {  	_ =	shalt  }
0x47: {  	_ =	shalt  }
0x48: {  	_ =	shalt  }
0x49: {  	_ =	shalt  }
0x4a: {  	_ =	shalt  }
0x4b: {  	_ =	shalt  }
0x4c: {  	_ =	shalt  }
0x4d: {  	_ =	shalt  }
0x4e: {  	_ =	shalt  }
0x4f: {  	_ =	shalt  }
0x50: {  	_ =	shalt  }
0x51: {  	_ =	shalt  }
0x52: {  	_ =	shalt  }
0x53: {  	_ =	shalt  }
0x54: {  	_ =	shalt  }
0x55: {  	_ =	shalt  }
0x56: {  	_ =	shalt  }
0x57: {  	_ =	shalt  }
0x58: {  	_ =	shalt  }
0x59: {  	_ =	shalt  }
0x5a: {  	_ =	shalt  }
0x5b: {  	_ =	shalt  }
0x5c: {  	_ =	shalt  }
0x5d: {  	_ =	shalt  }
0x5e: {  	_ =	shalt  }
0x5f: {  	_ =	shalt  }
0x60: {  	_ =	shalt  }
0x61: {  	_ =	shalt  }
0x62: {  	_ =	shalt  }
0x63: {  	_ =	shalt  }
0x64: {  	_ =	shalt  }
0x65: {  	_ =	shalt  }
0x66: {  	_ =	shalt  }
0x67: {  	_ =	shalt  }
0x68: {  	_ =	shalt  }
0x69: {  	_ =	shalt  }
0x6a: {  	_ =	shalt  }
0x6b: {  	_ =	shalt  }
0x6c: {  	_ =	shalt  }
0x6d: {  	_ =	shalt  }
0x6e: {  	_ =	shalt  }
0x6f: {  	_ =	shalt  }
0x70: {  	_ =	shalt  }
0x71: {  	_ =	shalt  }
0x72: {  	_ =	shalt  }
0x73: {  	_ =	shalt  }
0x74: {  	_ =	shalt  }
0x75: {  	_ =	shalt  }
0x76: {  	_ =	shalt  }
0x77: {  	_ =	shalt  }
0x78: {  	_ =	shalt  }
0x79: {  	_ =	shalt  }
0x7a: {  	_ =	shalt  }
0x7b: {  	_ =	shalt  }
0x7c: {  	_ =	shalt  }
0x7d: {  	_ =	shalt  }
0x7e: {  	_ =	shalt  }
0x7f: {  	_ =	shalt  }
0x80: {  	_ =	shalt  }
0x81: {  	_ =	shalt  }
0x82: {  	_ =	shalt  }
0x83: {  	_ =	shalt  }
0x84: {  	_ =	shalt  }
0x85: {  	_ =	shalt  }
0x86: {  	_ =	shalt  }
0x87: {  	_ =	shalt  }
.Lfunc_end0:
.L_simem_size_0:
called_computation.1_lowered:
.L_overlay_start_0:
0x88: {  	s2 =	sld [smem:$0x3FD9]  }
0x89: {  	s3 =	sld [smem:$0x3FFE];
	_ =	sdelay $0x1  }
0x8a: {  	s1 =	srdreg.scid  }
0x8b: {  	s0 =	sand.u32 $0x1, s1  }
0x8c: {  	s14 =	sshll.u32 s0, $0xA;
	s2 =	sadd.s32 s3, s2  }
0x8d: {  	s2 =	sadd.s32 s2, s14  }
0x8e: {  	[smem:$0x3FBC] =	sst s2  }
0x8f: {  	_ = 	snop  }
0x90: {  	s2 =	sld [smem:$0x3FD0];
	_ =	sdelay $0x2  }
0x91: {  	s15 =	simm.s32 $0xB;
	s4 =	simm.s32 $0x10  }
0x92: {  	[smem:s4], [sflag:s15] =	dma.local [hbm:s2], $0x1  }
0x93: {  	_ =	swait.eq [sflag:s15], $0x1  }
0x94: {  	[sflag:s15] =	ssyncset.done $0x0  }
0x95: {  	[sflag:s15] =	ssyncadd.s32 $0xFFFFFFFF  }
0x96: {  	s16 =	sld [smem:$0x11];
	(tm) =	ssettm $0x1  }
0x97: {  	s17 =	sld [smem:$0x3FFB];
	_ =	sdelay $0x3  }
0x98: {  	_ =	strace s17  }
0x99: {  	s3 =	sld [smem:$0x3FFC];
	_ =	sdelay $0x3  }
0x9a: {  	_ =	strace s3  }
0x9b: {  	s3 =	sld [smem:$0x3FFD];
	_ =	sdelay $0x3  }
0x9c: {  	_ =	strace s3  }
0x9d: {  	_ =	strace $0x8FFFFFFF  }
0x9e: {  	s18 =	sld [smem:$0x3FDB];
	_ =	sdelay $0x1  }
0x9f: {  	s19 =	simm.s32 $_scs_section_size  }
0xa0: {  	s5 =	simm.s32 $_size__tile_overlayer_lowered;
	s6 =	simm.s32 $_tile_overlayer_lowered  }
0xa1: {  	s22 =	simm.s32 $0x1BFF;
	s21 =	sshll.u32 s6, $0x1;
	s3 =	sadd.s32 s19, s18  }
0xa2: {  	s7 =	simm.s32 $0x0;
	s20 =	sshll.u32 s5, $0x1;
	s5 =	sadd.s32 s21, s3  }
0xa3: {  	[timem:s7], [sflag:s22] =	dma.local [hbm:s5], s20  }
0xa4: {  	_ =	swait.ge [sflag:s22], s20  }
0xa5: {  	s4 =	ssub.s32 $0x0, s20;
	[sflag:s22] =	ssyncset.done $0x0  }
0xa6: {  	[sflag:s22] =	ssyncadd.s32 s4;
	_ =	sdelay $0x1  }
0xa7: {  	s23 =	simm.s32 $0x1B8B  }
0xa8: {  	_ =	swait.ge [sflag:s23], $0x1  }
0xa9: {  	[sflag:s23] =	ssyncset.done $0x0  }
0xaa: {  	s25 =	simm.s32 $0x1B8E;
	s24 =	sld [smem:$0x3FFE];
	[sflag:s23] =	ssyncadd.s32 $0xFFFFFFFF  }
0xab: {  	s26 =	simm.s32 $execute0_lowered;
	[smem:$0x3FD2] =	sst s25  }
0xac: {  	s5 =	sshll.u32 s26, $0x1;
	_ =	strace $0x80000046;
	[dreg:$0x1] =	wrdreg $0xFFFFFFFF  }
0xad: {  	s28 =	simm.s32 $_size_execute0_lowered;
	s3 =	sadd.s32 s3, s5;
	[dreg:$0x0] =	wrdreg $0x0  }
0xae: {  	s5 =	sshll.u32 s28, $0x1;
	[dreg:$0x2] =	wrdreg s3  }
0xaf: {  	[dreg:$0x3] =	wrdreg s5  }
0xb0: {  	[dreg:$0x4] =	wrdreg $0xC0  }
0xb1: {  	_ =	task [dreg:s7], $0x5FFFF  }
0xb2: {  	[dreg:$0x1] =	wrdreg $0xFFFFFFFF  }
0xb3: {  	[dreg:$0x0] =	wrdreg $0x60  }
0xb4: {  	[dreg:$0x2] =	wrdreg s24  }
0xb5: {  	[dreg:$0x3] =	wrdreg s16  }
0xb6: {  	[dreg:$0x4] =	wrdreg $0xA  }
0xb7: {  	_ =	task.clear_ibuf [dreg:s7], $0x5FFFF;
	_ =	strace $0x90000046  }
0xb8: {  	s29 =	simm.s32 $0xA;
	_ =	strace $0x80000048  }
0xb9: {  	_ =	swait.ge [sflag:s29], $0x1  }
0xba: {  	[sflag:s29] =	ssyncadd.s32 $0xFFFFFFFF  }
0xbb: {  	_ =	strace $0x90000048  }
0xbc: {  	_ =	sfence  }
0xbd: {  	s30 =	sld [smem:$0x0];
	_ =	sdelay $0x2  }
0xbe: {  	s31 =	sshll.u32 s1, $0xD;
	s1 =	sshrl.u32 s1, $0x2  }
0xbf: {  	s3 =	sand.u32 $0x4000, s31;
	s1 =	sadd.s32 s1, s30  }
0xc0: {  	s0 =	sor.u32 s3, s0;
	s1 =	sshll.u32 s1, $0x11  }
0xc1: {  	s0 =	sor.u32 s1, s0  }
0xc2: {  	s0 =	sadd.s32 $0x8F2B, s0  }
0xc3: {  	[sflag:s0] =	ssyncadd.remote.s32 $0x1  }
0xc4: {  	_ =	sfence.sel $0xFFFF  }
0xc5: {  	[dreg:$0x0] =	wrdreg $0xFFFFFFFF;
	(pc) =	sbr.abs _section_cstart, $3  }
0xc6: {  	[dreg:$0x1] =	wrdreg $0xFFFFFFFF  }
0xc7: {  	_ =	task.clear_ibuf [dreg:s7], $0x2FFFF;
	_ =	strace $0x9FFFFFFF  }
0xc8: {  	(tm) =	ssettm $0x7FFFFFFF  }
0xc9: {  	_ =	shalt  }
tec
execute0_lowered:
.L_overlay_start_1:
0x0: {  	(tag) =	ssettag $0x1  }
0x1: {  	s0 =	rddreg [dreg:$0x0]  }
0x2: {  	s1 =	rddreg [dreg:$0x1]  }
0x3: {  	s2 =	srdreg.scid;
	s5 =	stileid.u32;
	s7 =	simm.s32 $0x880  }
0x4: {  	s11 =	simm.s32 $0x1080;
	s8 =	sand.u32 $0x1, s2;
	s2 =	simm.s32 $0x0  }
0x5: {  	s13 =	simm.s32 $0x1880;
	s14 =	simm.s32 $0x2080;
	[smem:$0x7FF] =	sst s2  }
0x6: {  	s15 =	simm.s32 $0x2880;
	_ =	strace $0x80000047;
	[dreg:$0x4] =	wrdreg s7  }
0x7: {  	s16 =	simm.s32 $0x3080;
	s17 =	simm.s32 $0x3880;
	[dreg:$0x5] =	wrdreg s11  }
0x8: {  	s19 =	simm.s32 $0x4080;
	s21 =	simm.s32 $0x4880;
	[dreg:$0x6] =	wrdreg s13  }
0x9: {  	s22 =	simm.s32 $0x5080;
	s24 =	simm.s32 $0x5880;
	[dreg:$0x7] =	wrdreg s14  }
0xa: {  	s25 =	simm.s32 $0x6080;
	s26 =	simm.s32 $0x6880;
	[dreg:$0x8] =	wrdreg s15  }
0xb: {  	s28 =	simm.s32 $0xF080;
	s29 =	simm.s32 $0xF880;
	[dreg:$0x9] =	wrdreg s16  }
0xc: {  	s30 =	simm.s32 $0x1;
	s31 =	simm.s32 $0x0;
	[dreg:$0xa] =	wrdreg s17  }
0xd: {  	s3 =	sshll.u32 s5, $0xA;
	s5 =	sshll.u32 s5, $0x11;
	[dreg:$0xb] =	wrdreg s19  }
0xe: {  	s6 =	sadd.s32 $0x43B00, s0;
	s4 =	sshll.u32 s8, $0x9;
	[dreg:$0xc] =	wrdreg s21  }
0xf: {  	s9 =	sadd.s32 s5, s0;
	s10 =	ssub.s32 $0x2, s8;
	[dreg:$0xd] =	wrdreg s22  }
0x10: {  	s5 =	sadd.s32 $0x43A00, s0;
	s20 =	sshll.u32 s8, $0x10;
	[dreg:$0xe] =	wrdreg s24  }
0x11: {  	s3 =	sor.u32 s4, s3;
	s12 =	sshrl.u32 s10, $0x1;
	[dreg:$0xf] =	wrdreg s25  }
0x12: {  	[dreg:$0x10] =	wrdreg s26;
	s11 =	simm.s32 $0x7080;
	s13 =	simm.s32 $0x8080  }
0x13: {  	s14 =	simm.s32 $0x8880;
	s15 =	simm.s32 $0x9080;
	s16 =	simm.s32 $0x9880  }
0x14: {  	s17 =	simm.s32 $0xA080;
	s19 =	simm.s32 $0xB080;
	s21 =	simm.s32 $0xC080  }
0x15: {  	s22 =	simm.s32 $0xC880;
	s24 =	simm.s32 $0xD880;
	s25 =	simm.s32 $0xE080  }
0x16: {  	s26 =	simm.s32 $0xE880;
	s4 =	sshrl.u32 s3, $0x3;
	s3 =	sadd.s32 $0x43800, s0  }
0x17: {  	s7 =	ssub.s32 s10, s12;
	s10 =	simm.s32 $0x80;
	s1 =	sadd.s32 s4, s1  }
0x18: {  	s12 =	simm.s32 $0x7880;
	s18 =	smax.u32 s7, $0x1;
	[dreg:$0x3] =	wrdreg s1  }
0x19: {  	v2 =	vlaneseq.u32;
	s4 =	sadd.s32 $0x43900, s0;
	[dreg:$0x11] =	wrdreg s18;
	s1 =	sadd.s32 s20, s9  }
0x1a: {  	vm0 =	vmmov $0xffff;
	v1 =	vshrl.u32 v2, $0x3;
	s9 =	simm.s32 $0x2;
	s18 =	simm.s32 $0xA880;
	s23 =	sadd.s32 $0xC3800, s1  }
0x1b: {  	v0 =	vand.u32 $0x7, v2;
	v2 =	vor.u32 $0x8, v2;
	v1 =	vmul.u32 $0x8, v1;
	s20 =	simm.s32 $0xB880;
	[dreg:$0x12] =	wrdreg s23;
	s23 =	simm.s32 $0xD080  }
.LBB2_1:
0x1c: {  	s8 =	rddreg [dreg:$0x12];
	s1 =	simm.s32 $0x0  }
.LBB2_2:
0x1d: {  	s7 =	rddreg [dreg:$0x3]  }
0x1e: {  	s7 =	sadd.s32 s1, s7  }
0x1f: {  	[tilespmem:s2], [sflag:$0x2] =	stream.linear.gather [hbm4b:s7+s2], $0x40, $0x38;
	[tilespmem:$0x10080] =	vst v63  }
0x20: {  	_ =	swait.ge [sflag:s9], $0x40  }
0x21: {  	[sflag:s9] =	ssyncset.done $0x0  }
0x22: {  	[sflag:s9] =	ssyncadd.s32 $0xFFFFFFC0  }
0x23: {  	v3 =	vld [tilespmem:$0x0];
	_ =	sdelay $0x4  }
0x24: {  	v4 =	vshll.u32 v3, $0x3  }
0x25: {  	v3 =	vand.u32 $0x7, v3;
	v4 =	vand.u32 $0xFFFFFFC0, v4  }
0x26: {  	v3 =	vor.u32 v3, v4  }
0x27: {  	v4 =	vperm.xlane v3, v0;
	_ =	sdelay $0x1  }
0x28: {  	v4 =	vadd.s32 v1, v4;
	_ =	sdelay $0x4  }
0x29: {  	[tilespmem:s10], [sflag:$0x1] =	stream.indirect_vreg.gather [hbm4b:s3+s2], $0x80, v4, vm0, $0xb8;
	[tilespmem:$0x10080] =	vst v63  }
0x2a: {  	s7 =	rddreg [dreg:$0x4];
	v3 =	vperm.xlane v3, v2  }
0x2b: {  	[tilespmem:s7], [sflag:$0x1] =	stream.indirect_vreg.gather [hbm4b:s4+s2], $0x80, v4, vm0, $0xb8;
	[tilespmem:$0x10080] =	vst v63  }
0x2c: {  	s0 =	rddreg [dreg:$0x5];
	v3 =	vadd.s32 v1, v3  }
0x2d: {  	[tilespmem:s0], [sflag:$0x1] =	stream.indirect_vreg.gather [hbm4b:s5+s2], $0x80, v4, vm0, $0xb8;
	[tilespmem:$0x10080] =	vst v63  }
0x2e: {  	s7 =	rddreg [dreg:$0x6]  }
0x2f: {  	[tilespmem:s7], [sflag:$0x1] =	stream.indirect_vreg.gather [hbm4b:s6+s2], $0x80, v4, vm0, $0xb8;
	[tilespmem:$0x10080] =	vst v63  }
0x30: {  	s0 =	rddreg [dreg:$0x7]  }
0x31: {  	[tilespmem:s0], [sflag:$0x1] =	stream.indirect_vreg.gather [hbm4b:s3+s2], $0x80, v3, vm0, $0xb8;
	[tilespmem:$0x10080] =	vst v63  }
0x32: {  	s7 =	rddreg [dreg:$0x8]  }
0x33: {  	[tilespmem:s7], [sflag:$0x1] =	stream.indirect_vreg.gather [hbm4b:s4+s2], $0x80, v3, vm0, $0xb8;
	[tilespmem:$0x10080] =	vst v63  }
0x34: {  	s0 =	rddreg [dreg:$0x9]  }
0x35: {  	[tilespmem:s0], [sflag:$0x1] =	stream.indirect_vreg.gather [hbm4b:s5+s2], $0x80, v3, vm0, $0xb8;
	[tilespmem:$0x10080] =	vst v63  }
0x36: {  	s7 =	rddreg [dreg:$0xa]  }
0x37: {  	[tilespmem:s7], [sflag:$0x1] =	stream.indirect_vreg.gather [hbm4b:s6+s2], $0x80, v3, vm0, $0xb8;
	[tilespmem:$0x10080] =	vst v63  }
0x38: {  	v3 =	vld [tilespmem:$0x10];
	_ =	sdelay $0x4  }
0x39: {  	v61 =	vshll.u32 v3, $0x3  }
0x3a: {  	v3 =	vand.u32 $0x7, v3;
	v4 =	vand.u32 $0xFFFFFFC0, v61  }
0x3b: {  	v3 =	vor.u32 v3, v4  }
0x3c: {  	v4 =	vperm.xlane v3, v0;
	_ =	sdelay $0x1  }
0x3d: {  	v4 =	vadd.s32 v1, v4;
	_ =	sdelay $0x3  }
0x3e: {  	s0 =	rddreg [dreg:$0xb]  }
0x3f: {  	[tilespmem:s0], [sflag:$0x1] =	stream.indirect_vreg.gather [hbm4b:s3+s2], $0x80, v4, vm0, $0xb8;
	[tilespmem:$0x10080] =	vst v63  }
0x40: {  	s7 =	rddreg [dreg:$0xc];
	v3 =	vperm.xlane v3, v2  }
0x41: {  	[tilespmem:s7], [sflag:$0x1] =	stream.indirect_vreg.gather [hbm4b:s4+s2], $0x80, v4, vm0, $0xb8;
	[tilespmem:$0x10080] =	vst v63  }
0x42: {  	v3 =	vadd.s32 v1, v3;
	s0 =	rddreg [dreg:$0xd]  }
0x43: {  	[tilespmem:s0], [sflag:$0x1] =	stream.indirect_vreg.gather [hbm4b:s5+s2], $0x80, v4, vm0, $0xb8;
	[tilespmem:$0x10080] =	vst v63  }
0x44: {  	s7 =	rddreg [dreg:$0xe]  }
0x45: {  	[tilespmem:s7], [sflag:$0x1] =	stream.indirect_vreg.gather [hbm4b:s6+s2], $0x80, v4, vm0, $0xb8;
	[tilespmem:$0x10080] =	vst v63  }
0x46: {  	s0 =	rddreg [dreg:$0xf]  }
0x47: {  	[tilespmem:s0], [sflag:$0x1] =	stream.indirect_vreg.gather [hbm4b:s3+s2], $0x80, v3, vm0, $0xb8;
	[tilespmem:$0x10080] =	vst v63  }
0x48: {  	s7 =	rddreg [dreg:$0x10]  }
0x49: {  	[tilespmem:s7], [sflag:$0x1] =	stream.indirect_vreg.gather [hbm4b:s4+s2], $0x80, v3, vm0, $0xb8;
	[tilespmem:$0x10080] =	vst v63  }
0x4a: {  	_ = 	snop  }
0x4b: {  	[tilespmem:s11], [sflag:$0x1] =	stream.indirect_vreg.gather [hbm4b:s5+s2], $0x80, v3, vm0, $0xb8;
	[tilespmem:$0x10080] =	vst v63  }
0x4c: {  	_ = 	snop  }
0x4d: {  	[tilespmem:s12], [sflag:$0x1] =	stream.indirect_vreg.gather [hbm4b:s6+s2], $0x80, v3, vm0, $0xb8;
	[tilespmem:$0x10080] =	vst v63  }
0x4e: {  	v3 =	vld [tilespmem:$0x20];
	_ =	sdelay $0x4  }
0x4f: {  	v62 =	vshll.u32 v3, $0x3  }
0x50: {  	v3 =	vand.u32 $0x7, v3;
	v4 =	vand.u32 $0xFFFFFFC0, v62  }
0x51: {  	v3 =	vor.u32 v3, v4  }
0x52: {  	v4 =	vperm.xlane v3, v0;
	_ =	sdelay $0x1  }
0x53: {  	v4 =	vadd.s32 v1, v4;
	_ =	sdelay $0x4  }
0x54: {  	[tilespmem:s13], [sflag:$0x1] =	stream.indirect_vreg.gather [hbm4b:s3+s2], $0x80, v4, vm0, $0xb8;
	[tilespmem:$0x10080] =	vst v63  }
0x55: {  	v3 =	vperm.xlane v3, v2  }
0x56: {  	[tilespmem:s14], [sflag:$0x1] =	stream.indirect_vreg.gather [hbm4b:s4+s2], $0x80, v4, vm0, $0xb8;
	[tilespmem:$0x10080] =	vst v63  }
0x57: {  	v3 =	vadd.s32 v1, v3  }
0x58: {  	[tilespmem:s15], [sflag:$0x1] =	stream.indirect_vreg.gather [hbm4b:s5+s2], $0x80, v4, vm0, $0xb8;
	[tilespmem:$0x10080] =	vst v63  }
0x59: {  	_ = 	snop  }
0x5a: {  	[tilespmem:s16], [sflag:$0x1] =	stream.indirect_vreg.gather [hbm4b:s6+s2], $0x80, v4, vm0, $0xb8;
	[tilespmem:$0x10080] =	vst v63  }
0x5b: {  	_ = 	snop  }
0x5c: {  	[tilespmem:s17], [sflag:$0x1] =	stream.indirect_vreg.gather [hbm4b:s3+s2], $0x80, v3, vm0, $0xb8;
	[tilespmem:$0x10080] =	vst v63  }
0x5d: {  	_ = 	snop  }
0x5e: {  	[tilespmem:s18], [sflag:$0x1] =	stream.indirect_vreg.gather [hbm4b:s4+s2], $0x80, v3, vm0, $0xb8;
	[tilespmem:$0x10080] =	vst v63  }
0x5f: {  	_ = 	snop  }
0x60: {  	[tilespmem:s19], [sflag:$0x1] =	stream.indirect_vreg.gather [hbm4b:s5+s2], $0x80, v3, vm0, $0xb8;
	[tilespmem:$0x10080] =	vst v63  }
0x61: {  	_ = 	snop  }
0x62: {  	[tilespmem:s20], [sflag:$0x1] =	stream.indirect_vreg.gather [hbm4b:s6+s2], $0x80, v3, vm0, $0xb8;
	[tilespmem:$0x10080] =	vst v63  }
0x63: {  	v3 =	vld [tilespmem:$0x30];
	_ =	sdelay $0x4  }
0x64: {  	v63 =	vshll.u32 v3, $0x3  }
0x65: {  	v3 =	vand.u32 $0x7, v3;
	v4 =	vand.u32 $0xFFFFFFC0, v63  }
0x66: {  	v3 =	vor.u32 v3, v4  }
0x67: {  	v4 =	vperm.xlane v3, v0;
	_ =	sdelay $0x1  }
0x68: {  	v4 =	vadd.s32 v1, v4;
	_ =	sdelay $0x4  }
0x69: {  	[tilespmem:s21], [sflag:$0x1] =	stream.indirect_vreg.gather [hbm4b:s3+s2], $0x80, v4, vm0, $0xb8;
	[tilespmem:$0x10080] =	vst v63  }
0x6a: {  	v3 =	vperm.xlane v3, v2  }
0x6b: {  	[tilespmem:s22], [sflag:$0x1] =	stream.indirect_vreg.gather [hbm4b:s4+s2], $0x80, v4, vm0, $0xb8;
	[tilespmem:$0x10080] =	vst v63  }
0x6c: {  	v3 =	vadd.s32 v1, v3  }
0x6d: {  	[tilespmem:s23], [sflag:$0x1] =	stream.indirect_vreg.gather [hbm4b:s5+s2], $0x80, v4, vm0, $0xb8;
	[tilespmem:$0x10080] =	vst v63  }
0x6e: {  	_ = 	snop  }
0x6f: {  	[tilespmem:s24], [sflag:$0x1] =	stream.indirect_vreg.gather [hbm4b:s6+s2], $0x80, v4, vm0, $0xb8;
	[tilespmem:$0x10080] =	vst v63  }
0x70: {  	_ = 	snop  }
0x71: {  	[tilespmem:s25], [sflag:$0x1] =	stream.indirect_vreg.gather [hbm4b:s3+s2], $0x80, v3, vm0, $0xb8;
	[tilespmem:$0x10080] =	vst v63  }
0x72: {  	_ = 	snop  }
0x73: {  	[tilespmem:s26], [sflag:$0x1] =	stream.indirect_vreg.gather [hbm4b:s4+s2], $0x80, v3, vm0, $0xb8;
	[tilespmem:$0x10080] =	vst v63  }
0x74: {  	_ = 	snop  }
0x75: {  	[tilespmem:s28], [sflag:$0x1] =	stream.indirect_vreg.gather [hbm4b:s5+s2], $0x80, v3, vm0, $0xb8;
	[tilespmem:$0x10080] =	vst v63  }
0x76: {  	_ = 	snop  }
0x77: {  	[tilespmem:s29], [sflag:$0x1] =	stream.indirect_vreg.gather [hbm4b:s6+s2], $0x80, v3, vm0, $0xb8;
	[tilespmem:$0x10080] =	vst v63  }
0x78: {  	_ =	swait.ge [sflag:s30], $0x10000  }
0x79: {  	p0 =	sne.s32 s1, $0x38;
	[sflag:s30] =	ssyncset.done $0x0  }
.Ltmp0:
0x7a: {  	[sflag:s30] =	ssyncadd.s32 $0xFFFF0000;
	(pc) =	sbr.rel @p0 .LBB2_2-.Ltmp0, $4  }
0x7b: {  	[hbm4b:s8+s2] =	stream.linear.scatter [tilespmem:s10], [sflag:$0x2], $0x10000, $0x38;
	[tilespmem:$0x10080] =	vst v63  }
0x7c: {  	_ =	swait.ge [sflag:s9], $0x10000  }
0x7d: {  	[sflag:s9] =	ssyncset.done $0x0  }
0x7e: {  	s1 =	sadd.s32 $0x8, s1;
	s8 =	sadd.s32 $0x2000, s8;
	[sflag:s9] =	ssyncadd.s32 $0xFFFF0000  }
0x7f: {  	s31 =	sadd.s32 $0x1, s31;
	s0 =	rddreg [dreg:$0x11]  }
0x80: {  	p0 =	sne.s32 s31, s0  }
.Ltmp1:
0x81: {  	_ = 	snop;
	(pc) =	sbr.rel @p0 .LBB2_1-.Ltmp1, $1  }
0x82: {  	_ =	sdelay $0x3  }
0x83: {  	_ =	sfence.sel $0x180000  }
0x84: {  	[bflag:$0x0] =	sbarrier.arrive $0xFFFF  }
0x85: {  	_ =	strace $0x90000047  }
0x86: {  	s0 =	stileid.u32;
	[bflag:$0x2] =	sbarrier.arrive $0xFFFF  }
0x87: {  	p0 =	sne.s32 s0, $0x0;
	s0 =	rddreg [dreg:$0x2]  }
0x88: {  	s0 =	sadd.s32 @!p0 $0x100000, s0  }
0x89: {  	[sflag:s0] =	ssyncadd.tile.s32 @!p0 $0x1;
	_ =	shalt  }
.Lfunc_end2:
_tile_overlayer_lowered:
.L_overlay_start_2:
0x8a: {  	(tag) =	ssettag $0x2  }
0x8b: {  	s0 =	rddreg [dreg:$0x0];
	s2 =	stileid.u32  }
0x8c: {  	s1 =	rddreg [dreg:$0x1];
	p0 =	sne.s32 s2, $0x0  }
0x8d: {  	s3 =	rddreg [dreg:$0x2];
	[bflag:$0x3] =	sbarrier.arrive $0xFFFF;
	s2 =	simm.s32 @!p0 $0x1C02  }
0x8e: {  	[timem:s3], [sflag:s2] =	dma.local @!p0 [hbm:s0], s1  }
0x8f: {  	s0 =	simm.s32 @!p0 $0x2  }
0x90: {  	_ =	swait.ge @!p0 [sflag:s0], s1  }
0x91: {  	s1 =	ssub.s32 @!p0 $0x0, s1;
	[sflag:s0] =	ssyncset.done @!p0 $0x0  }
0x92: {  	[sflag:s0] =	ssyncadd.s32 @!p0 s1  }
0x93: {  	[bflag:$0x3] =	sbarrier.arrive $0xFFFF  }
0x94: {  	_ =	shalt  }

// kernel: kernel.9.cloned.1.call-start
scs
__scs_entry_jumppad:
0x0: {  	(pc) =	sbr.rel $0x88, $3  }
0x1: {  	(tag) =	ssettag $0x0;
	lr =	simm.s32 $0x1  }
0x2: {  	[smem:$0x3F95] =	sst lr;
	_ =	strace $0xD0000000  }
0x3: {  	_ = 	snop  }
0x4: {  	_ = 	snop  }
0x5: {  	_ = 	snop  }
0x6: {  	_ = 	snop  }
0x7: {  	_ = 	snop  }
__scs_overlays_trampoline_lowered:
0x8: {  	[smem:$0x3FA4] =	sst s0  }
0x9: {  	[smem:$0x3FA5] =	sst s1  }
0xa: {  	[smem:$0x3FA6] =	sst s2  }
0xb: {  	[smem:$0x3FA7] =	sst s3  }
0xc: {  	[smem:$0x3FA8] =	sst s4  }
0xd: {  	[smem:$0x3FA9] =	sst s5  }
0xe: {  	[smem:$0x3FAA] =	sst s6  }
0xf: {  	[smem:$0x3FAB] =	sst s7  }
0x10: {  	[smem:$0x3FAC] =	sst s8  }
0x11: {  	[smem:$0x3FAD] =	sst s9;
	s0 =	simm.s32 @!p0 $0x0  }
0x12: {  	s1 =	sld [smem:$0x3F93];
	s0 =	simm.s32 @p0 $0x1  }
0x13: {  	[smem:$0x3FAE] =	sst s0;
	s0 =	simm.s32 @!p1 $0x0  }
0x14: {  	s2 =	sld [smem:$0x3F92];
	s0 =	simm.s32 @p1 $0x1  }
0x15: {  	[smem:$0x3FAF] =	sst s0;
	s0 =	simm.s32 @!p2 $0x0  }
0x16: {  	s3 =	sld [smem:$0x3FDB];
	s0 =	simm.s32 @p2 $0x1  }
0x17: {  	s4 =	simm.s32 $0x1BF5;
	[smem:$0x3FB1] =	sst s0  }
0x18: {  	s0 =	sld [smem:$0x3F94];
	_ =	swait.ge [sflag:s4], $0x0  }
0x19: {  	s7 =	sld [smem:$0x3F95]  }
0x1a: {  	s8 =	sadd.s32 $0xFFFFE003, lr  }
0x1b: {  	s9 =	sadd.s32 $0xFFFFFEF7, lr;
	s5 =	simm.s32 $0xFFFFFFFF;
	p2 =	slt.u32 s8, $0xFFFFF086  }
0x1c: {  	p1 =	slt.u32 s9, $0xF7A;
	s5 =	simm.s32 @!p2 $0x0  }
0x1d: {  	s5 =	simm.s32 @p1 $0x1;
	p0 =	seq.s32 s7, s2  }
0x1e: {  	s7 =	smul.u32 @!p0 $0xF7A, s2;
	p2 =	seq.s32 @!p0 s5, $0x0  }
0x1f: {  	s9 =	smul.u32 $0xF7A, s1;
	s8 =	simm.s32 @!p0 $0x1BF5;
	p2 =	por !p2, p0  }
0x20: {  	[sflag:s8] =	ssyncset.s32 @!p0 $0xFFFFF086;
	s6 =	sadd.s32 @!p0 s3, s7;
	s7 =	simm.s32 @!p0 $0x108  }
0x21: {  	s3 =	sadd.s32 s3, s9;
	s6 =	sadd.s32 @!p0 $0x88, s6;
	s7 =	simm.s32 @p2 $0x1082  }
0x22: {  	[simem:s7], [sflag:s8] =	dma.local @!p0 [hbm:s6], $0xF7A  }
0x23: {  	s9 =	sor.u32 $0xD0000000, s2;
	s6 =	simm.s32 $0x108;
	_ =	swait.ge @!p0 [sflag:s8], $0x0  }
0x24: {  	s3 =	sadd.s32 $0x88, s3;
	s6 =	simm.s32 @!p1 $0x1082;
	[sflag:s4] =	ssyncset.s32 $0xFFFFF086  }
0x25: {  	[simem:s6], [sflag:s4] =	dma.local [hbm:s3], $0xF7A  }
0x26: {  	[smem:$0x3F95] =	sst s1;
	(tag) =	ssettag s2;
	_ =	strace s9  }
0x27: {  	s1 =	sld [smem:$0x3FA5]  }
0x28: {  	s2 =	sld [smem:$0x3FA6]  }
0x29: {  	s4 =	sld [smem:$0x3FA8]  }
0x2a: {  	p0 =	seq.s32 s5, $0x0;
	s5 =	sld [smem:$0x3FA9]  }
0x2b: {  	s6 =	sld [smem:$0x3FAA]  }
0x2c: {  	s7 =	sld [smem:$0x3FAB]  }
0x2d: {  	s3 =	simm.s32 $0x108;
	s8 =	sld [smem:$0x3FAC]  }
0x2e: {  	s3 =	simm.s32 @!p0 $0x1082;
	s9 =	sld [smem:$0x3FAD]  }
0x2f: {  	lr =	sadd.s32 s0, s3;
	s0 =	sld [smem:$0x3FA4]  }
0x30: {  	s3 =	sld [smem:$0x3FA7]  }
0x31: {  	[smem:$0x3FB0] =	sst s10  }
0x32: {  	s10 =	sld [smem:$0x3FAE];
	_ =	sdelay $0x3  }
0x33: {  	p0 =	seq.s32 s10, $0x1;
	s10 =	sld [smem:$0x3FB0];
	_ =	sdelay $0x3  }
0x34: {  	[smem:$0x3FB0] =	sst s10  }
0x35: {  	s10 =	sld [smem:$0x3FAF];
	_ =	sdelay $0x3  }
0x36: {  	p1 =	seq.s32 s10, $0x1;
	s10 =	sld [smem:$0x3FB0];
	_ =	sdelay $0x3  }
0x37: {  	[smem:$0x3FB0] =	sst s10  }
0x38: {  	s10 =	sld [smem:$0x3FB1]  }
0x39: {  	_ = 	snop;
	(pc) =	sbr.ind lr, $3  }
0x3a: {  	_ = 	snop  }
0x3b: {  	_ = 	snop  }
0x3c: {  	p2 =	seq.s32 s10, $0x1;
	s10 =	sld [smem:$0x3FB0]  }
0x3d: {  	_ =	shalt  }
0x3e: {  	_ =	shalt  }
0x3f: {  	_ =	shalt  }
0x40: {  	_ =	shalt  }
0x41: {  	_ =	shalt  }
0x42: {  	_ =	shalt  }
0x43: {  	_ =	shalt  }
0x44: {  	_ =	shalt  }
0x45: {  	_ =	shalt  }
0x46: {  	_ =	shalt  }
0x47: {  	_ =	shalt  }
0x48: {  	_ =	shalt  }
0x49: {  	_ =	shalt  }
0x4a: {  	_ =	shalt  }
0x4b: {  	_ =	shalt  }
0x4c: {  	_ =	shalt  }
0x4d: {  	_ =	shalt  }
0x4e: {  	_ =	shalt  }
0x4f: {  	_ =	shalt  }
0x50: {  	_ =	shalt  }
0x51: {  	_ =	shalt  }
0x52: {  	_ =	shalt  }
0x53: {  	_ =	shalt  }
0x54: {  	_ =	shalt  }
0x55: {  	_ =	shalt  }
0x56: {  	_ =	shalt  }
0x57: {  	_ =	shalt  }
0x58: {  	_ =	shalt  }
0x59: {  	_ =	shalt  }
0x5a: {  	_ =	shalt  }
0x5b: {  	_ =	shalt  }
0x5c: {  	_ =	shalt  }
0x5d: {  	_ =	shalt  }
0x5e: {  	_ =	shalt  }
0x5f: {  	_ =	shalt  }
0x60: {  	_ =	shalt  }
0x61: {  	_ =	shalt  }
0x62: {  	_ =	shalt  }
0x63: {  	_ =	shalt  }
0x64: {  	_ =	shalt  }
0x65: {  	_ =	shalt  }
0x66: {  	_ =	shalt  }
0x67: {  	_ =	shalt  }
0x68: {  	_ =	shalt  }
0x69: {  	_ =	shalt  }
0x6a: {  	_ =	shalt  }
0x6b: {  	_ =	shalt  }
0x6c: {  	_ =	shalt  }
0x6d: {  	_ =	shalt  }
0x6e: {  	_ =	shalt  }
0x6f: {  	_ =	shalt  }
0x70: {  	_ =	shalt  }
0x71: {  	_ =	shalt  }
0x72: {  	_ =	shalt  }
0x73: {  	_ =	shalt  }
0x74: {  	_ =	shalt  }
0x75: {  	_ =	shalt  }
0x76: {  	_ =	shalt  }
0x77: {  	_ =	shalt  }
0x78: {  	_ =	shalt  }
0x79: {  	_ =	shalt  }
0x7a: {  	_ =	shalt  }
0x7b: {  	_ =	shalt  }
0x7c: {  	_ =	shalt  }
0x7d: {  	_ =	shalt  }
0x7e: {  	_ =	shalt  }
0x7f: {  	_ =	shalt  }
0x80: {  	_ =	shalt  }
0x81: {  	_ =	shalt  }
0x82: {  	_ =	shalt  }
0x83: {  	_ =	shalt  }
0x84: {  	_ =	shalt  }
0x85: {  	_ =	shalt  }
0x86: {  	_ =	shalt  }
0x87: {  	_ =	shalt  }
.Lfunc_end0:
.L_simem_size_0:
called_computation_lowered:
.L_overlay_start_0:
0x88: {  	s2 =	sld [smem:$0x3FD9]  }
0x89: {  	s3 =	sld [smem:$0x3FFE];
	_ =	sdelay $0x1  }
0x8a: {  	s1 =	srdreg.scid  }
0x8b: {  	s0 =	sand.u32 $0x1, s1  }
0x8c: {  	s17 =	sshll.u32 s0, $0xA;
	s2 =	sadd.s32 s3, s2  }
0x8d: {  	s2 =	sadd.s32 s2, s17  }
0x8e: {  	[smem:$0x3FBC] =	sst s2  }
0x8f: {  	_ = 	snop  }
0x90: {  	(tm) =	ssettm $0x1  }
0x91: {  	s18 =	sld [smem:$0x3FFB];
	_ =	sdelay $0x3  }
0x92: {  	_ =	strace s18  }
0x93: {  	s2 =	sld [smem:$0x3FFC];
	_ =	sdelay $0x3  }
0x94: {  	_ =	strace s2  }
0x95: {  	s2 =	sld [smem:$0x3FFD];
	_ =	sdelay $0x3  }
0x96: {  	_ =	strace s2  }
0x97: {  	_ =	strace $0x8FFFFFFF  }
0x98: {  	s19 =	sld [smem:$0x3FDB];
	_ =	sdelay $0x1  }
0x99: {  	s20 =	simm.s32 $_scs_section_size  }
0x9a: {  	s4 =	simm.s32 $_size__tile_overlayer_lowered;
	s5 =	simm.s32 $_tile_overlayer_lowered  }
0x9b: {  	s6 =	simm.s32 $0x1BFF;
	s21 =	sshll.u32 s5, $0x1;
	s3 =	sadd.s32 s20, s19  }
0x9c: {  	s22 =	simm.s32 $0x0;
	s4 =	sshll.u32 s4, $0x1;
	s5 =	sadd.s32 s21, s3  }
0x9d: {  	[timem:s22], [sflag:s6] =	dma.local [hbm:s5], s4  }
0x9e: {  	_ =	swait.ge [sflag:s6], s4  }
0x9f: {  	s4 =	ssub.s32 $0x0, s4;
	[sflag:s6] =	ssyncset.done $0x0  }
0xa0: {  	[sflag:s6] =	ssyncadd.s32 s4;
	_ =	sdelay $0x1  }
0xa1: {  	s23 =	simm.s32 $0x1B8B  }
0xa2: {  	_ =	swait.ge [sflag:s23], $0x1  }
0xa3: {  	[sflag:s23] =	ssyncset.done $0x0  }
0xa4: {  	[sflag:s23] =	ssyncadd.s32 $0xFFFFFFFF  }
0xa5: {  	s4 =	sld [smem:$0x0]  }
0xa6: {  	s5 =	sand.u32 $0xFFFFFFFE, s1  }
0xa7: {  	p0 =	sne.s32 s1, s5  }
0xa8: {  	s5 =	sshll.u32 @p0 s5, $0xE  }
0xa9: {  	s5 =	sadd.s32 @p0 $0x11B8D, s5;
	s6 =	sshll.u32 @p0 s4, $0x11  }
0xaa: {  	s5 =	sor.u32 @p0 s6, s5  }
0xab: {  	[sflag:s5] =	ssyncadd.remote.s32 @p0 $0x1;
	_ =	sdelay $0x1  }
0xac: {  	s5 =	simm.s32 @p0 $0x1B8D  }
0xad: {  	_ =	swait.eq @p0 [sflag:s5], $0x1  }
0xae: {  	[sflag:s5] =	ssyncadd.s32 @p0 $0xFFFFFFFF  }
0xaf: {  	s6 =	sshll.u32 @!p0 s1, $0xE  }
0xb0: {  	s6 =	sor.u32 @!p0 $0x4000, s6;
	s5 =	simm.s32 @!p0 $0x1B8D  }
0xb1: {  	s4 =	sshll.u32 @!p0 s4, $0x11;
	s6 =	sadd.s32 @!p0 $0x11B8D, s6;
	_ =	swait.eq @!p0 [sflag:s5], $0x1  }
0xb2: {  	s4 =	sor.u32 @!p0 s4, s6;
	[sflag:s5] =	ssyncadd.s32 @!p0 $0xFFFFFFFF  }
0xb3: {  	s25 =	simm.s32 $0x1B8E;
	s24 =	sld [smem:$0x3FFE];
	[sflag:s4] =	ssyncadd.remote.s32 @!p0 $0x1  }
0xb4: {  	s26 =	simm.s32 $execute0_lowered;
	[smem:$0x3FD2] =	sst s25  }
0xb5: {  	s5 =	sshll.u32 s26, $0x1;
	_ =	strace $0x80000049;
	[dreg:$0x1] =	wrdreg $0xFFFFFFFF  }
0xb6: {  	s28 =	simm.s32 $_size_execute0_lowered;
	s3 =	sadd.s32 s3, s5;
	[dreg:$0x0] =	wrdreg $0x0  }
0xb7: {  	s5 =	sshll.u32 s28, $0x1;
	[dreg:$0x2] =	wrdreg s3  }
0xb8: {  	[dreg:$0x3] =	wrdreg s5  }
0xb9: {  	[dreg:$0x4] =	wrdreg $0xC0  }
0xba: {  	_ =	task [dreg:s22], $0x5FFFF  }
0xbb: {  	[dreg:$0x1] =	wrdreg $0xFFFFFFFF  }
0xbc: {  	[dreg:$0x0] =	wrdreg $0x60  }
0xbd: {  	[dreg:$0x2] =	wrdreg s24  }
0xbe: {  	[dreg:$0x3] =	wrdreg $0x9  }
0xbf: {  	_ =	task.clear_ibuf [dreg:s22], $0x4FFFF;
	_ =	strace $0x90000049  }
0xc0: {  	s29 =	simm.s32 $0x9;
	_ =	strace $0x8000004B  }
0xc1: {  	_ =	swait.ge [sflag:s29], $0x1  }
0xc2: {  	[sflag:s29] =	ssyncadd.s32 $0xFFFFFFFF  }
0xc3: {  	_ =	strace $0x9000004B  }
0xc4: {  	_ =	sfence  }
0xc5: {  	s30 =	sld [smem:$0x0];
	_ =	sdelay $0x2  }
0xc6: {  	s31 =	sshll.u32 s1, $0xD;
	s1 =	sshrl.u32 s1, $0x2  }
0xc7: {  	s4 =	sand.u32 $0x4000, s31;
	s1 =	sadd.s32 s1, s30  }
0xc8: {  	s0 =	sor.u32 s4, s0;
	s1 =	sshll.u32 s1, $0x11  }
0xc9: {  	s0 =	sor.u32 s1, s0  }
0xca: {  	s0 =	sadd.s32 $0x8F2B, s0  }
0xcb: {  	[sflag:s0] =	ssyncadd.remote.s32 $0x1  }
0xcc: {  	_ =	sfence.sel $0xFFFF  }
0xcd: {  	[dreg:$0x0] =	wrdreg $0xFFFFFFFF;
	(pc) =	sbr.abs _section_cstart, $3  }
0xce: {  	[dreg:$0x1] =	wrdreg $0xFFFFFFFF  }
0xcf: {  	_ =	task.clear_ibuf [dreg:s22], $0x2FFFF;
	_ =	strace $0x9FFFFFFF  }
0xd0: {  	(tm) =	ssettm $0x7FFFFFFF  }
0xd1: {  	_ =	shalt  }
tec
execute0_lowered:
.L_overlay_start_1:
0x0: {  	(tag) =	ssettag $0x1  }
0x1: {  	s0 =	srdreg.scid;
	s5 =	stileid.u32  }
0x2: {  	s1 =	rddreg [dreg:$0x0];
	s2 =	simm.s32 $0x0;
	s14 =	simm.s32 $0x880  }
0x3: {  	s16 =	simm.s32 $0x1080;
	s17 =	simm.s32 $0x1880;
	s18 =	simm.s32 $0x2080  }
0x4: {  	s19 =	simm.s32 $0x2880;
	s9 =	simm.s32 $0x3080;
	[smem:$0x7FF] =	sst s2  }
0x5: {  	s20 =	simm.s32 $0x3880;
	_ =	strace $0x8000004A;
	[dreg:$0x3] =	wrdreg s14  }
0x6: {  	s21 =	simm.s32 $0x4080;
	s22 =	simm.s32 $0x4880;
	[dreg:$0x4] =	wrdreg s16  }
0x7: {  	s23 =	simm.s32 $0x5080;
	s24 =	simm.s32 $0x5880;
	[dreg:$0x5] =	wrdreg s17  }
0x8: {  	s25 =	simm.s32 $0x6080;
	s10 =	simm.s32 $0x80;
	[dreg:$0x6] =	wrdreg s18  }
0x9: {  	s26 =	simm.s32 $0x6880;
	s11 =	simm.s32 $0x7080;
	[dreg:$0x7] =	wrdreg s19  }
0xa: {  	s12 =	simm.s32 $0x7880;
	s28 =	simm.s32 $0xF080;
	[dreg:$0x8] =	wrdreg s9  }
0xb: {  	s29 =	simm.s32 $0xF880;
	s30 =	simm.s32 $0x1;
	[dreg:$0x9] =	wrdreg s20  }
0xc: {  	s31 =	simm.s32 $0x0;
	s0 =	sand.u32 $0x1, s0;
	[dreg:$0xa] =	wrdreg s21  }
0xd: {  	s3 =	sshll.u32 s5, $0xA;
	s5 =	sshll.u32 s5, $0x11;
	[dreg:$0xb] =	wrdreg s22  }
0xe: {  	s4 =	sshll.u32 s0, $0x9;
	s8 =	sadd.s32 s5, s1;
	[dreg:$0xc] =	wrdreg s23  }
0xf: {  	s15 =	ssub.s32 $0x2, s0;
	s5 =	sadd.s32 $0x63A00, s1;
	[dreg:$0xd] =	wrdreg s24  }
0x10: {  	s0 =	sshll.u32 s0, $0x10;
	s9 =	simm.s32 $0x2;
	[dreg:$0xe] =	wrdreg s25  }
0x11: {  	[dreg:$0xf] =	wrdreg s26;
	s14 =	simm.s32 $0x8880;
	s16 =	simm.s32 $0x9880  }
0x12: {  	s17 =	simm.s32 $0xA080;
	s18 =	simm.s32 $0xA880;
	s19 =	simm.s32 $0xB080  }
0x13: {  	s20 =	simm.s32 $0xB880;
	s21 =	simm.s32 $0xC080;
	s22 =	simm.s32 $0xC880  }
0x14: {  	s23 =	simm.s32 $0xD080;
	s24 =	simm.s32 $0xD880;
	s25 =	simm.s32 $0xE080  }
0x15: {  	s26 =	simm.s32 $0xE880;
	s3 =	sor.u32 s4, s3;
	s6 =	sshrl.u32 s15, $0x1  }
0x16: {  	s0 =	sadd.s32 s0, s8;
	s3 =	sshrl.u32 s3, $0x3;
	s7 =	ssub.s32 s15, s6  }
0x17: {  	s6 =	sadd.s32 $0x63B00, s1;
	s0 =	sadd.s32 $0x2C4000, s0;
	s15 =	simm.s32 $0x9080  }
0x18: {  	v2 =	vlaneseq.u32;
	s13 =	sadd.s32 s3, s1;
	s7 =	smax.u32 s7, $0x1;
	[dreg:$0x11] =	wrdreg s0  }
0x19: {  	vm0 =	vmmov $0xffff;
	v1 =	vshrl.u32 v2, $0x3;
	s3 =	sadd.s32 $0x63800, s1;
	s4 =	sadd.s32 $0x2C3800, s13;
	[dreg:$0x10] =	wrdreg s7  }
0x1a: {  	v0 =	vand.u32 $0x7, v2;
	v2 =	vor.u32 $0x8, v2;
	v1 =	vmul.u32 $0x8, v1;
	s13 =	simm.s32 $0x8080;
	[dreg:$0x2] =	wrdreg s4;
	s4 =	sadd.s32 $0x63900, s1  }
.LBB2_1:
0x1b: {  	s8 =	rddreg [dreg:$0x11];
	s0 =	simm.s32 $0x0  }
.LBB2_2:
0x1c: {  	s7 =	rddreg [dreg:$0x2]  }
0x1d: {  	s7 =	sadd.s32 s0, s7  }
0x1e: {  	[tilespmem:s2], [sflag:$0x2] =	stream.linear.gather [hbm4b:s7+s2], $0x40, $0x38;
	[tilespmem:$0x10080] =	vst v63  }
0x1f: {  	_ =	swait.ge [sflag:s9], $0x40  }
0x20: {  	[sflag:s9] =	ssyncset.done $0x0  }
0x21: {  	[sflag:s9] =	ssyncadd.s32 $0xFFFFFFC0  }
0x22: {  	v3 =	vld [tilespmem:$0x0];
	_ =	sdelay $0x4  }
0x23: {  	v4 =	vshll.u32 v3, $0x3  }
0x24: {  	v3 =	vand.u32 $0x7, v3;
	v4 =	vand.u32 $0xFFFFFFC0, v4  }
0x25: {  	v3 =	vor.u32 v3, v4  }
0x26: {  	v4 =	vperm.xlane v3, v0;
	_ =	sdelay $0x1  }
0x27: {  	v4 =	vadd.s32 v1, v4;
	_ =	sdelay $0x4  }
0x28: {  	[tilespmem:s10], [sflag:$0x1] =	stream.indirect_vreg.gather [hbm4b:s3+s2], $0x80, v4, vm0, $0xb8;
	[tilespmem:$0x10080] =	vst v63  }
0x29: {  	s7 =	rddreg [dreg:$0x3];
	v3 =	vperm.xlane v3, v2  }
0x2a: {  	[tilespmem:s7], [sflag:$0x1] =	stream.indirect_vreg.gather [hbm4b:s4+s2], $0x80, v4, vm0, $0xb8;
	[tilespmem:$0x10080] =	vst v63  }
0x2b: {  	s1 =	rddreg [dreg:$0x4];
	v3 =	vadd.s32 v1, v3  }
0x2c: {  	[tilespmem:s1], [sflag:$0x1] =	stream.indirect_vreg.gather [hbm4b:s5+s2], $0x80, v4, vm0, $0xb8;
	[tilespmem:$0x10080] =	vst v63  }
0x2d: {  	s7 =	rddreg [dreg:$0x5]  }
0x2e: {  	[tilespmem:s7], [sflag:$0x1] =	stream.indirect_vreg.gather [hbm4b:s6+s2], $0x80, v4, vm0, $0xb8;
	[tilespmem:$0x10080] =	vst v63  }
0x2f: {  	s1 =	rddreg [dreg:$0x6]  }
0x30: {  	[tilespmem:s1], [sflag:$0x1] =	stream.indirect_vreg.gather [hbm4b:s3+s2], $0x80, v3, vm0, $0xb8;
	[tilespmem:$0x10080] =	vst v63  }
0x31: {  	s7 =	rddreg [dreg:$0x7]  }
0x32: {  	[tilespmem:s7], [sflag:$0x1] =	stream.indirect_vreg.gather [hbm4b:s4+s2], $0x80, v3, vm0, $0xb8;
	[tilespmem:$0x10080] =	vst v63  }
0x33: {  	s1 =	rddreg [dreg:$0x8]  }
0x34: {  	[tilespmem:s1], [sflag:$0x1] =	stream.indirect_vreg.gather [hbm4b:s5+s2], $0x80, v3, vm0, $0xb8;
	[tilespmem:$0x10080] =	vst v63  }
0x35: {  	s7 =	rddreg [dreg:$0x9]  }
0x36: {  	[tilespmem:s7], [sflag:$0x1] =	stream.indirect_vreg.gather [hbm4b:s6+s2], $0x80, v3, vm0, $0xb8;
	[tilespmem:$0x10080] =	vst v63  }
0x37: {  	v3 =	vld [tilespmem:$0x10];
	_ =	sdelay $0x4  }
0x38: {  	v61 =	vshll.u32 v3, $0x3  }
0x39: {  	v3 =	vand.u32 $0x7, v3;
	v4 =	vand.u32 $0xFFFFFFC0, v61  }
0x3a: {  	v3 =	vor.u32 v3, v4  }
0x3b: {  	v4 =	vperm.xlane v3, v0;
	_ =	sdelay $0x1  }
0x3c: {  	v4 =	vadd.s32 v1, v4;
	_ =	sdelay $0x3  }
0x3d: {  	s1 =	rddreg [dreg:$0xa]  }
0x3e: {  	[tilespmem:s1], [sflag:$0x1] =	stream.indirect_vreg.gather [hbm4b:s3+s2], $0x80, v4, vm0, $0xb8;
	[tilespmem:$0x10080] =	vst v63  }
0x3f: {  	s7 =	rddreg [dreg:$0xb];
	v3 =	vperm.xlane v3, v2  }
0x40: {  	[tilespmem:s7], [sflag:$0x1] =	stream.indirect_vreg.gather [hbm4b:s4+s2], $0x80, v4, vm0, $0xb8;
	[tilespmem:$0x10080] =	vst v63  }
0x41: {  	v3 =	vadd.s32 v1, v3;
	s1 =	rddreg [dreg:$0xc]  }
0x42: {  	[tilespmem:s1], [sflag:$0x1] =	stream.indirect_vreg.gather [hbm4b:s5+s2], $0x80, v4, vm0, $0xb8;
	[tilespmem:$0x10080] =	vst v63  }
0x43: {  	s7 =	rddreg [dreg:$0xd]  }
0x44: {  	[tilespmem:s7], [sflag:$0x1] =	stream.indirect_vreg.gather [hbm4b:s6+s2], $0x80, v4, vm0, $0xb8;
	[tilespmem:$0x10080] =	vst v63  }
0x45: {  	s1 =	rddreg [dreg:$0xe]  }
0x46: {  	[tilespmem:s1], [sflag:$0x1] =	stream.indirect_vreg.gather [hbm4b:s3+s2], $0x80, v3, vm0, $0xb8;
	[tilespmem:$0x10080] =	vst v63  }
0x47: {  	s7 =	rddreg [dreg:$0xf]  }
0x48: {  	[tilespmem:s7], [sflag:$0x1] =	stream.indirect_vreg.gather [hbm4b:s4+s2], $0x80, v3, vm0, $0xb8;
	[tilespmem:$0x10080] =	vst v63  }
0x49: {  	_ = 	snop  }
0x4a: {  	[tilespmem:s11], [sflag:$0x1] =	stream.indirect_vreg.gather [hbm4b:s5+s2], $0x80, v3, vm0, $0xb8;
	[tilespmem:$0x10080] =	vst v63  }
0x4b: {  	_ = 	snop  }
0x4c: {  	[tilespmem:s12], [sflag:$0x1] =	stream.indirect_vreg.gather [hbm4b:s6+s2], $0x80, v3, vm0, $0xb8;
	[tilespmem:$0x10080] =	vst v63  }
0x4d: {  	v3 =	vld [tilespmem:$0x20];
	_ =	sdelay $0x4  }
0x4e: {  	v62 =	vshll.u32 v3, $0x3  }
0x4f: {  	v3 =	vand.u32 $0x7, v3;
	v4 =	vand.u32 $0xFFFFFFC0, v62  }
0x50: {  	v3 =	vor.u32 v3, v4  }
0x51: {  	v4 =	vperm.xlane v3, v0;
	_ =	sdelay $0x1  }
0x52: {  	v4 =	vadd.s32 v1, v4;
	_ =	sdelay $0x4  }
0x53: {  	[tilespmem:s13], [sflag:$0x1] =	stream.indirect_vreg.gather [hbm4b:s3+s2], $0x80, v4, vm0, $0xb8;
	[tilespmem:$0x10080] =	vst v63  }
0x54: {  	v3 =	vperm.xlane v3, v2  }
0x55: {  	[tilespmem:s14], [sflag:$0x1] =	stream.indirect_vreg.gather [hbm4b:s4+s2], $0x80, v4, vm0, $0xb8;
	[tilespmem:$0x10080] =	vst v63  }
0x56: {  	v3 =	vadd.s32 v1, v3  }
0x57: {  	[tilespmem:s15], [sflag:$0x1] =	stream.indirect_vreg.gather [hbm4b:s5+s2], $0x80, v4, vm0, $0xb8;
	[tilespmem:$0x10080] =	vst v63  }
0x58: {  	_ = 	snop  }
0x59: {  	[tilespmem:s16], [sflag:$0x1] =	stream.indirect_vreg.gather [hbm4b:s6+s2], $0x80, v4, vm0, $0xb8;
	[tilespmem:$0x10080] =	vst v63  }
0x5a: {  	_ = 	snop  }
0x5b: {  	[tilespmem:s17], [sflag:$0x1] =	stream.indirect_vreg.gather [hbm4b:s3+s2], $0x80, v3, vm0, $0xb8;
	[tilespmem:$0x10080] =	vst v63  }
0x5c: {  	_ = 	snop  }
0x5d: {  	[tilespmem:s18], [sflag:$0x1] =	stream.indirect_vreg.gather [hbm4b:s4+s2], $0x80, v3, vm0, $0xb8;
	[tilespmem:$0x10080] =	vst v63  }
0x5e: {  	_ = 	snop  }
0x5f: {  	[tilespmem:s19], [sflag:$0x1] =	stream.indirect_vreg.gather [hbm4b:s5+s2], $0x80, v3, vm0, $0xb8;
	[tilespmem:$0x10080] =	vst v63  }
0x60: {  	_ = 	snop  }
0x61: {  	[tilespmem:s20], [sflag:$0x1] =	stream.indirect_vreg.gather [hbm4b:s6+s2], $0x80, v3, vm0, $0xb8;
	[tilespmem:$0x10080] =	vst v63  }
0x62: {  	v3 =	vld [tilespmem:$0x30];
	_ =	sdelay $0x4  }
0x63: {  	v63 =	vshll.u32 v3, $0x3  }
0x64: {  	v3 =	vand.u32 $0x7, v3;
	v4 =	vand.u32 $0xFFFFFFC0, v63  }
0x65: {  	v3 =	vor.u32 v3, v4  }
0x66: {  	v4 =	vperm.xlane v3, v0;
	_ =	sdelay $0x1  }
0x67: {  	v4 =	vadd.s32 v1, v4;
	_ =	sdelay $0x4  }
0x68: {  	[tilespmem:s21], [sflag:$0x1] =	stream.indirect_vreg.gather [hbm4b:s3+s2], $0x80, v4, vm0, $0xb8;
	[tilespmem:$0x10080] =	vst v63  }
0x69: {  	v3 =	vperm.xlane v3, v2  }
0x6a: {  	[tilespmem:s22], [sflag:$0x1] =	stream.indirect_vreg.gather [hbm4b:s4+s2], $0x80, v4, vm0, $0xb8;
	[tilespmem:$0x10080] =	vst v63  }
0x6b: {  	v3 =	vadd.s32 v1, v3  }
0x6c: {  	[tilespmem:s23], [sflag:$0x1] =	stream.indirect_vreg.gather [hbm4b:s5+s2], $0x80, v4, vm0, $0xb8;
	[tilespmem:$0x10080] =	vst v63  }
0x6d: {  	_ = 	snop  }
0x6e: {  	[tilespmem:s24], [sflag:$0x1] =	stream.indirect_vreg.gather [hbm4b:s6+s2], $0x80, v4, vm0, $0xb8;
	[tilespmem:$0x10080] =	vst v63  }
0x6f: {  	_ = 	snop  }
0x70: {  	[tilespmem:s25], [sflag:$0x1] =	stream.indirect_vreg.gather [hbm4b:s3+s2], $0x80, v3, vm0, $0xb8;
	[tilespmem:$0x10080] =	vst v63  }
0x71: {  	_ = 	snop  }
0x72: {  	[tilespmem:s26], [sflag:$0x1] =	stream.indirect_vreg.gather [hbm4b:s4+s2], $0x80, v3, vm0, $0xb8;
	[tilespmem:$0x10080] =	vst v63  }
0x73: {  	_ = 	snop  }
0x74: {  	[tilespmem:s28], [sflag:$0x1] =	stream.indirect_vreg.gather [hbm4b:s5+s2], $0x80, v3, vm0, $0xb8;
	[tilespmem:$0x10080] =	vst v63  }
0x75: {  	_ = 	snop  }
0x76: {  	[tilespmem:s29], [sflag:$0x1] =	stream.indirect_vreg.gather [hbm4b:s6+s2], $0x80, v3, vm0, $0xb8;
	[tilespmem:$0x10080] =	vst v63  }
0x77: {  	_ =	swait.ge [sflag:s30], $0x10000  }
0x78: {  	p0 =	sne.s32 s0, $0x38;
	[sflag:s30] =	ssyncset.done $0x0  }
.Ltmp0:
0x79: {  	[sflag:s30] =	ssyncadd.s32 $0xFFFF0000;
	(pc) =	sbr.rel @p0 .LBB2_2-.Ltmp0, $4  }
0x7a: {  	[hbm4b:s8+s2] =	stream.linear.scatter [tilespmem:s10], [sflag:$0x2], $0x10000, $0x38;
	[tilespmem:$0x10080] =	vst v63  }
0x7b: {  	_ =	swait.ge [sflag:s9], $0x10000  }
0x7c: {  	[sflag:s9] =	ssyncset.done $0x0  }
0x7d: {  	s0 =	sadd.s32 $0x8, s0;
	s8 =	sadd.s32 $0x2000, s8;
	[sflag:s9] =	ssyncadd.s32 $0xFFFF0000  }
0x7e: {  	s31 =	sadd.s32 $0x1, s31;
	s0 =	rddreg [dreg:$0x10]  }
0x7f: {  	p0 =	sne.s32 s31, s0  }
.Ltmp1:
0x80: {  	_ = 	snop;
	(pc) =	sbr.rel @p0 .LBB2_1-.Ltmp1, $1  }
0x81: {  	_ =	sdelay $0x3  }
0x82: {  	_ =	sfence.sel $0x180000  }
0x83: {  	[bflag:$0x0] =	sbarrier.arrive $0xFFFF  }
0x84: {  	_ =	strace $0x9000004A  }
0x85: {  	s0 =	stileid.u32;
	[bflag:$0x2] =	sbarrier.arrive $0xFFFF  }
0x86: {  	p0 =	sne.s32 s0, $0x0;
	s0 =	rddreg [dreg:$0x1]  }
0x87: {  	s0 =	sadd.s32 @!p0 $0x100000, s0  }
0x88: {  	[sflag:s0] =	ssyncadd.tile.s32 @!p0 $0x1;
	_ =	shalt  }
.Lfunc_end2:
_tile_overlayer_lowered:
.L_overlay_start_2:
0x89: {  	(tag) =	ssettag $0x2  }
0x8a: {  	s0 =	rddreg [dreg:$0x0];
	s2 =	stileid.u32  }
0x8b: {  	s1 =	rddreg [dreg:$0x1];
	p0 =	sne.s32 s2, $0x0  }
0x8c: {  	s3 =	rddreg [dreg:$0x2];
	[bflag:$0x3] =	sbarrier.arrive $0xFFFF;
	s2 =	simm.s32 @!p0 $0x1C02  }
0x8d: {  	[timem:s3], [sflag:s2] =	dma.local @!p0 [hbm:s0], s1  }
0x8e: {  	s0 =	simm.s32 @!p0 $0x2  }
0x8f: {  	_ =	swait.ge @!p0 [sflag:s0], s1  }
0x90: {  	s1 =	ssub.s32 @!p0 $0x0, s1;
	[sflag:s0] =	ssyncset.done @!p0 $0x0  }
0x91: {  	[sflag:s0] =	ssyncadd.s32 @!p0 s1  }
0x92: {  	[bflag:$0x3] =	sbarrier.arrive $0xFFFF  }
0x93: {  	_ =	shalt  }

</sc_bundles>
